<compile_context>
chip_gen: v7x
topology: tpu7x:2x2x1
jax: 0.10.2.dev20260603
libtpu: 0.0.44.dev20260713+nightly
codegen_flags: <defaults>
</compile_context>

<pallas_src>
import functools

import jax
import jax.numpy as jnp
from jax import lax
from jax.experimental import pallas as pl
from jax.experimental.pallas import tpu as pltpu
from jax.experimental.pallas import tpu_sc as plsc

_N = 10000
_E = 160000
_IN = 16
_HID = 16
_OUT = 8
_DE = 4
_MLP_H = 25

_NC = 2
_NS = 16
_NW = _NC * _NS
_CH = 128
_NCHUNK = 40
_EPT = _CH * _NCHUNK
_E_PAD = _EPT * _NW
_N_SC = 10240
_RPT = _N_SC // _NS


@functools.cache
def _mesh():
  return plsc.VectorSubcoreMesh(core_axis_name="c", subcore_axis_name="s")


_SC_PARAMS = pltpu.CompilerParams(use_tc_tiling_on_sc=False)



def _sc_gather_count(table, src_idx, dst_idx):

  @functools.partial(
      pl.kernel,
      out_type=[
          jax.ShapeDtypeStruct((_E_PAD, 16), jnp.float32),
          jax.ShapeDtypeStruct((_NC, _N_SC), jnp.float32),
      ],
      mesh=_mesh(),
      compiler_params=_SC_PARAMS,
      scratch_types=[
          pltpu.VMEM((_NCHUNK, _CH), jnp.int32),
          pltpu.VMEM((_NCHUNK, _CH), jnp.int32),
          pltpu.VMEM((_EPT, 16), jnp.float32),
          pltpu.VMEM((_CH,), jnp.float32),
          pltpu.VMEM((_RPT,), jnp.float32),
          pltpu.VMEM_SHARED((_N_SC,), jnp.float32),
          pltpu.SemaphoreType.DMA,
          pltpu.SemaphoreType.DMA,
      ],
  )
  def k(table_hbm, sidx_hbm, didx_hbm, xs_hbm, cnt_hbm,
        sidx_v, didx_v, rows_v, ones_v, cstage_v, cnt_sh, gsem, csem):
    c = lax.axis_index("c")
    s = lax.axis_index("s")
    wid = c * _NS + s
    pltpu.sync_copy(sidx_hbm.at[wid], sidx_v)
    pltpu.sync_copy(didx_hbm.at[wid], didx_v)

    @pl.loop(0, _NCHUNK)
    def _(j):
      pltpu.async_copy(table_hbm.at[sidx_v.at[j]],
                       rows_v.at[pl.ds(j * _CH, _CH)], gsem)

    @pl.loop(0, _CH // 16)
    def _(r):
      ones_v[pl.ds(r * 16, 16)] = jnp.ones((16,), jnp.float32)

    @pl.loop(0, _RPT // 16)
    def _(r):
      cstage_v[pl.ds(r * 16, 16)] = jnp.zeros((16,), jnp.float32)

    pltpu.sync_copy(cstage_v, cnt_sh.at[pl.ds(s * _RPT, _RPT)])
    plsc.subcore_barrier()

    @pl.loop(0, _NCHUNK)
    def _(j):
      pltpu.async_copy(ones_v, cnt_sh.at[didx_v.at[j]], csem, add=True)

    @pl.loop(0, _NCHUNK)
    def _(j):
      pltpu.make_async_copy(ones_v, cnt_sh.at[didx_v.at[j]], csem).wait()

    plsc.subcore_barrier()

    pltpu.sync_copy(cnt_sh.at[pl.ds(s * _RPT, _RPT)], cstage_v)
    pltpu.sync_copy(cstage_v, cnt_hbm.at[c, pl.ds(s * _RPT, _RPT)])

    @pl.loop(0, _NCHUNK)
    def _(j):
      pltpu.make_async_copy(table_hbm.at[sidx_v.at[j]],
                            rows_v.at[pl.ds(j * _CH, _CH)], gsem).wait()

    pltpu.sync_copy(rows_v, xs_hbm.at[pl.ds(wid * _EPT, _EPT)])

  return k(table, src_idx, dst_idx)


def _sc_gather(table, idx):

  @functools.partial(
      pl.kernel,
      out_type=jax.ShapeDtypeStruct((_E_PAD, 16), jnp.float32),
      mesh=_mesh(),
      compiler_params=_SC_PARAMS,
      scratch_types=[
          pltpu.VMEM((_NCHUNK, _CH), jnp.int32),
          pltpu.VMEM((_EPT, 16), jnp.float32),
          pltpu.SemaphoreType.DMA,
      ],
  )
  def k(table_hbm, idx_hbm, out_hbm, idx_v, rows_v, gsem):
    wid = lax.axis_index("c") * _NS + lax.axis_index("s")
    pltpu.sync_copy(idx_hbm.at[wid], idx_v)

    @pl.loop(0, _NCHUNK)
    def _(j):
      pltpu.async_copy(table_hbm.at[idx_v.at[j]],
                       rows_v.at[pl.ds(j * _CH, _CH)], gsem)

    @pl.loop(0, _NCHUNK)
    def _(j):
      pltpu.make_async_copy(table_hbm.at[idx_v.at[j]],
                            rows_v.at[pl.ds(j * _CH, _CH)], gsem).wait()

    pltpu.sync_copy(rows_v, out_hbm.at[pl.ds(wid * _EPT, _EPT)])

  return k(table, idx)


def _sc_scatter_add(msg, idx):

  @functools.partial(
      pl.kernel,
      out_type=jax.ShapeDtypeStruct((_NC, _N_SC, 16), jnp.float32),
      mesh=_mesh(),
      compiler_params=_SC_PARAMS,
      scratch_types=[
          pltpu.VMEM((_NCHUNK, _CH), jnp.int32),
          pltpu.VMEM((_CH, 16), jnp.float32),
          pltpu.VMEM((_CH, 16), jnp.float32),
          pltpu.VMEM((_CH, 16), jnp.float32),
          pltpu.VMEM((_CH, 16), jnp.float32),
          pltpu.VMEM((_RPT, 16), jnp.float32),
          pltpu.VMEM_SHARED((_N_SC, 16), jnp.float32),
          pltpu.SemaphoreType.DMA,
          pltpu.SemaphoreType.DMA,
      ],
  )
  def k(msg_hbm, idx_hbm, out_hbm, idx_v, msg_a, msg_b, msg_c, msg_d,
        stage_v, acc_sh, lsem, ssem):
    c = lax.axis_index("c")
    s = lax.axis_index("s")
    wid = c * _NS + s
    pltpu.sync_copy(idx_hbm.at[wid], idx_v)

    @pl.loop(0, _RPT)
    def _(r):
      stage_v[r, :] = jnp.zeros((16,), jnp.float32)

    pltpu.sync_copy(stage_v, acc_sh.at[pl.ds(s * _RPT, _RPT)])
    plsc.subcore_barrier()

    base = wid * _EPT
    bufs = (msg_a, msg_b, msg_c, msg_d)

    @pl.loop(0, _NCHUNK // 4)
    def _(q):
      j0 = 4 * q

      @pl.when(q > 0)
      def _():
        for k in range(4):
          pltpu.make_async_copy(msg_hbm.at[pl.ds(0, _CH)], bufs[k],
                                ssem).wait()

      for k in range(4):
        pltpu.async_copy(msg_hbm.at[pl.ds(base + (j0 + k) * _CH, _CH)],
                         bufs[k], lsem)
      for k in range(4):
        pltpu.make_async_copy(msg_hbm.at[pl.ds(base + (j0 + k) * _CH, _CH)],
                              bufs[k], lsem).wait()
        pltpu.async_copy(bufs[k], acc_sh.at[idx_v.at[j0 + k]], ssem,
                         add=True)

    @pl.loop(0, 4)
    def _(k):
      pltpu.make_async_copy(msg_hbm.at[pl.ds(0, _CH)], msg_a, ssem).wait()

    plsc.subcore_barrier()

    pltpu.sync_copy(acc_sh.at[pl.ds(s * _RPT, _RPT)], stage_v)
    pltpu.sync_copy(stage_v, out_hbm.at[c, pl.ds(s * _RPT, _RPT)])

  return k(msg, idx)



_EBLK = 8192


def _dense_body(ea_ref, Wa_ref, ba_ref, Wb_ref, bb_ref, xs_ref, R_ref,
                msg_ref):
  dot = functools.partial(jnp.dot, preferred_element_type=jnp.float32)
  bf = jnp.bfloat16
  h = jnp.maximum(dot(ea_ref[...], Wa_ref[...]) + ba_ref[...], 0.0)
  w = dot(h.astype(bf), Wb_ref[...]) + bb_ref[...]
  xrep = dot(xs_ref[...].astype(bf), R_ref[...])
  p = xrep * w
  p = p[:, :128] + p[:, 128:]
  p = p[:, :64] + p[:, 64:]
  p = p[:, :32] + p[:, 32:]
  msg_ref[...] = p[:, :16] + p[:, 16:]


def _tc_dense(ea, Wa, ba, Wb, bb, xs, R):
  grid = _E_PAD // _EBLK
  wdim = Wb.shape[1]
  full = lambda *shape: pl.BlockSpec(shape, lambda i: (0,) * len(shape))
  return pl.pallas_call(
      _dense_body,
      grid=(grid,),
      in_specs=[
          pl.BlockSpec((_EBLK, _DE), lambda i: (i, 0)),
          full(_DE, _MLP_H),
          full(1, _MLP_H),
          full(_MLP_H, wdim),
          full(1, wdim),
          pl.BlockSpec((_EBLK, 16), lambda i: (i, 0)),
          full(16, wdim),
      ],
      out_specs=pl.BlockSpec((_EBLK, 16), lambda i: (i, 0)),
      out_shape=jax.ShapeDtypeStruct((_E_PAD, 16), jnp.float32),
  )(ea, Wa, ba, Wb, bb, xs, R)


def _combine_body(relu, s0_ref, s1_ref, c0_ref, c1_ref, x_ref, root_ref,
                  bias_ref, o_ref):
  cnt = jnp.maximum(c0_ref[...] + c1_ref[...], 1.0)
  out = (s0_ref[...] + s1_ref[...]) / cnt
  out = out + jnp.dot(x_ref[...], root_ref[...],
                      preferred_element_type=jnp.float32) + bias_ref[...]
  if relu:
    out = jnp.maximum(out, 0.0)
  o_ref[...] = out


def _tc_combine(s0, s1, c0, c1, x, root, bias, relu):
  return pl.pallas_call(
      functools.partial(_combine_body, relu),
      out_shape=jax.ShapeDtypeStruct((_N_SC, 16), jnp.float32),
  )(s0, s1, c0, c1, x, root, bias)



def kernel(x, edge_index, edge_attr, W1a, b1a, W1b, b1b, root1, bias1,
           W2a, b2a, W2b, b2b, root2, bias2):
  src = edge_index[0]
  dst = edge_index[1]
  pad = _E_PAD - _E
  src_p = jnp.concatenate([src, jnp.zeros((pad,), jnp.int32)])
  src_p = src_p.reshape(_NW, _NCHUNK, _CH)
  dst_p = jnp.concatenate([dst, jnp.full((pad,), _N, jnp.int32)])
  dst_p = dst_p.reshape(_NW, _NCHUNK, _CH)
  ea_p = jnp.pad(edge_attr, ((0, pad), (0, 0))).astype(jnp.bfloat16)
  x_p = jnp.pad(x, ((0, _N_SC - _N), (0, 0)))

  R16 = jnp.kron(jnp.eye(16, dtype=jnp.bfloat16),
                 jnp.ones((1, 16), jnp.bfloat16))

  W2b_p = jnp.pad(W2b.reshape(_MLP_H, _HID, _OUT),
                  ((0, 0), (0, 0), (0, 16 - _OUT))).reshape(_MLP_H, _HID * 16)
  W1a_b = W1a.astype(jnp.bfloat16)
  W2a_b = W2a.astype(jnp.bfloat16)
  W1b_b = W1b.astype(jnp.bfloat16)
  W2b_b = W2b_p.astype(jnp.bfloat16)
  b2b_p = jnp.pad(b2b.reshape(_HID, _OUT),
                  ((0, 0), (0, 16 - _OUT))).reshape(1, _HID * 16)
  root2_p = jnp.pad(root2, ((0, 0), (0, 16 - _OUT)))
  bias2_p = jnp.pad(bias2, ((0, 16 - _OUT))).reshape(1, 16)

  b1a_ = b1a.reshape(1, _MLP_H)
  b1b_ = b1b.reshape(1, _IN * _HID)
  b2a_ = b2a.reshape(1, _MLP_H)
  bias1_ = bias1.reshape(1, _HID)

  xs1, cnt = _sc_gather_count(x, src_p, dst_p)
  c0 = cnt[0].reshape(_N_SC, 1)
  c1 = cnt[1].reshape(_N_SC, 1)

  msg1 = _tc_dense(ea_p, W1a_b, b1a_, W1b_b, b1b_, xs1, R16)
  s1 = _sc_scatter_add(msg1, dst_p)
  h = _tc_combine(s1[0], s1[1], c0, c1, x_p, root1, bias1_, relu=True)

  xs2 = _sc_gather(h, src_p)
  msg2 = _tc_dense(ea_p, W2a_b, b2a_, W2b_b, b2b_p, xs2, R16)
  s2 = _sc_scatter_add(msg2, dst_p)
  out = _tc_combine(s2[0], s2[1], c0, c1, h, root2_p, bias2_p, relu=False)

  return out[:_N, :_OUT]

# --- scband reference (transcript-rebuilt; emitter-appended) ---
"""Pipeline reference for scband-bi-gnn-50663434224368 (READ-ONLY COPY).

The authoritative reference and input builder live on the scoring server;
editing this copy changes nothing except your own understanding.
"""

import jax, jax.numpy as jnp
import numpy as np

N = 10000
E = 160000
IN = 16
HID = 16
OUT = 8
DE = 4
MLP_H = 25


def setup_inputs(seed: int = 0) -> dict:
    key = jax.random.key(seed)
    ks = jax.random.split(key, 16)
    inp = {}
    inp["x"] = jax.random.normal(ks[0], (N, IN), dtype=jnp.float32)
    inp["edge_index"] = jax.random.randint(ks[1], (2, E), 0, N, dtype=jnp.int32)
    inp["edge_attr"] = jax.random.normal(ks[2], (E, DE), dtype=jnp.float32)
    # conv1 params: edge MLP (DE -> 25 -> IN*HID), root weight, bias
    inp["W1a"] = jax.random.normal(ks[3], (DE, MLP_H), dtype=jnp.float32) * 0.1
    inp["b1a"] = jnp.zeros((MLP_H,), dtype=jnp.float32)
    inp["W1b"] = jax.random.normal(ks[4], (MLP_H, IN * HID), dtype=jnp.float32) * 0.1
    inp["b1b"] = jnp.zeros((IN * HID,), dtype=jnp.float32)
    inp["root1"] = jax.random.normal(ks[5], (IN, HID), dtype=jnp.float32) * 0.1
    inp["bias1"] = jnp.zeros((HID,), dtype=jnp.float32)
    # conv2 params: edge MLP (DE -> 25 -> HID*OUT), root weight, bias
    inp["W2a"] = jax.random.normal(ks[6], (DE, MLP_H), dtype=jnp.float32) * 0.1
    inp["b2a"] = jnp.zeros((MLP_H,), dtype=jnp.float32)
    inp["W2b"] = jax.random.normal(ks[7], (MLP_H, HID * OUT), dtype=jnp.float32) * 0.1
    inp["b2b"] = jnp.zeros((HID * OUT,), dtype=jnp.float32)
    inp["root2"] = jax.random.normal(ks[8], (HID, OUT), dtype=jnp.float32) * 0.1
    inp["bias2"] = jnp.zeros((OUT,), dtype=jnp.float32)
    return inp


def _nnconv_mean(x, edge_index, edge_attr, Wa, ba, Wb, bb, root, bias, in_c, out_c):
    # edge MLP -> per-edge weight matrix [E, in_c, out_c]
    h = jax.nn.relu(edge_attr @ Wa + ba)
    w = (h @ Wb + bb).reshape(-1, in_c, out_c)
    src = edge_index[0]
    dst = edge_index[1]
    # message: x_j (source) transformed by per-edge weight
    msg = jnp.einsum('ei,eio->eo', x[src], w)
    # mean aggregation at destination nodes
    summed = jax.ops.segment_sum(msg, dst, num_segments=N)
    cnt = jax.ops.segment_sum(jnp.ones((msg.shape[0],), dtype=msg.dtype), dst, num_segments=N)
    mean = summed / jnp.clip(cnt, 1.0, None)[:, None]
    return mean + x @ root + bias


def reference(x, edge_index, edge_attr, W1a, b1a, W1b, b1b, root1, bias1, W2a, b2a, W2b, b2b, root2, bias2):
    h = _nnconv_mean(x, edge_index, edge_attr, W1a, b1a, W1b, b1b, root1, bias1, IN, HID)
    h = jax.nn.relu(h)
    # dropout p=0.5 is identity in eval mode
    out = _nnconv_mean(h, edge_index, edge_attr, W2a, b2a, W2b, b2b, root2, bias2, HID, OUT)
    return out

if __name__ == "__main__":
    import jax
    _d = setup_inputs()
    print(jax.jit(kernel)(*tuple(_d.values())))

</pallas_src>

<mosaic_0001>
#map = affine_map<(d0, d1) -> (0, 0)>
#map1 = affine_map<(d0, d1) -> (0, 0, 0)>
module attributes {stable_mosaic.version = 14 : i64} {
  func.func @k(%arg0: i32, %arg1: i32, %arg2: memref<10000x16xf32, #tpu.memory_space<hbm>>, %arg3: memref<32x40x128xi32, #tpu.memory_space<hbm>>, %arg4: memref<32x40x128xi32, #tpu.memory_space<hbm>>, %arg5: memref<163840x16xf32, #tpu.memory_space<hbm>>, %arg6: memref<2x10240xf32, #tpu.memory_space<hbm>>, %arg7: memref<40x128xi32, #tpu.memory_space<vmem>>, %arg8: memref<40x128xi32, #tpu.memory_space<vmem>>, %arg9: memref<5120x16xf32, #tpu.memory_space<vmem>>, %arg10: memref<128xf32, #tpu.memory_space<vmem>>, %arg11: memref<640xf32, #tpu.memory_space<vmem>>, %arg12: memref<10240xf32, #tpu.memory_space<vmem_shared>>, %arg13: memref<!tpu.dma_semaphore, #tpu.memory_space<semaphore_mem>>, %arg14: memref<!tpu.dma_semaphore, #tpu.memory_space<semaphore_mem>>) attributes {dimension_semantics = [#tpu.dimension_semantics<core_parallel>, #tpu.dimension_semantics<subcore_parallel>], iteration_bounds = array<i64: 2, 16>, scalar_prefetch = 0 : i64, scratch_operands = 8 : i64, tpu.core_type = #tpu.core_type<sc_vector_subcore>, window_params = [{transform_indices = #map}, {transform_indices = #map1}, {transform_indices = #map1}, {transform_indices = #map}, {transform_indices = #map}]} {
    %mul3A = arith.constant 16 : i32
    %mul3A_0 = arith.muli %arg0, %mul3A : i32
    %add3A = arith.addi %mul3A_0, %arg1 : i32
    "tpu.region"() ({
      %run_scoped3A = tpu.sem_alloc : memref<!tpu.dma_semaphore, #tpu.memory_space<semaphore_mem>>
      %dma_start3A = arith.constant 0 : i32
      %dma_start3A_39 = arith.constant 0 : i32
      %dma_start3A_40 = tpu.memref_slice %arg3[%add3A, %dma_start3A, %dma_start3A_39] : memref<32x40x128xi32, #tpu.memory_space<hbm>> -> memref<1x40x128xi32, #tpu.memory_space<hbm>>
      %dma_start3A_41 = tpu.memref_squeeze %dma_start3A_40 : memref<1x40x128xi32, #tpu.memory_space<hbm>> -> memref<40x128xi32, #tpu.memory_space<hbm>>
      %dma_start3A_42 = arith.constant 0 : i32
      %dma_start3A_43 = arith.constant 0 : i32
      %dma_start3A_44 = tpu.memref_slice %arg3[%add3A, %dma_start3A_42, %dma_start3A_43] : memref<32x40x128xi32, #tpu.memory_space<hbm>> -> memref<1x40x128xi32, #tpu.memory_space<hbm>>
      %dma_start3A_45 = tpu.memref_squeeze %dma_start3A_44 : memref<1x40x128xi32, #tpu.memory_space<hbm>> -> memref<40x128xi32, #tpu.memory_space<hbm>>
      tpu.enqueue_dma source(%dma_start3A_45 : memref<40x128xi32, #tpu.memory_space<hbm>>) target(%arg7 : memref<40x128xi32, #tpu.memory_space<vmem>>) target_semaphore(%run_scoped3A : memref<!tpu.dma_semaphore, #tpu.memory_space<semaphore_mem>>)
      %dma_wait3A = arith.constant 0 : i32
      %dma_wait3A_46 = arith.constant 0 : i32
      %dma_wait3A_47 = tpu.memref_slice %arg3[%add3A, %dma_wait3A, %dma_wait3A_46] : memref<32x40x128xi32, #tpu.memory_space<hbm>> -> memref<1x40x128xi32, #tpu.memory_space<hbm>>
      %dma_wait3A_48 = tpu.memref_squeeze %dma_wait3A_47 : memref<1x40x128xi32, #tpu.memory_space<hbm>> -> memref<40x128xi32, #tpu.memory_space<hbm>>
      %dma_wait3A_49 = arith.constant 0 : i32
      %dma_wait3A_50 = arith.constant 0 : i32
      %dma_wait3A_51 = tpu.memref_slice %arg3[%add3A, %dma_wait3A_49, %dma_wait3A_50] : memref<32x40x128xi32, #tpu.memory_space<hbm>> -> memref<1x40x128xi32, #tpu.memory_space<hbm>>
      %dma_wait3A_52 = tpu.memref_squeeze %dma_wait3A_51 : memref<1x40x128xi32, #tpu.memory_space<hbm>> -> memref<40x128xi32, #tpu.memory_space<hbm>>
      tpu.wait_dma2 semaphore(%run_scoped3A : memref<!tpu.dma_semaphore, #tpu.memory_space<semaphore_mem>>) src(%dma_wait3A_52 : memref<40x128xi32, #tpu.memory_space<hbm>>) dst(%arg7 : memref<40x128xi32, #tpu.memory_space<vmem>>)
      tpu.yield
    }) : () -> ()
    "tpu.region"() ({
      %run_scoped3A = tpu.sem_alloc : memref<!tpu.dma_semaphore, #tpu.memory_space<semaphore_mem>>
      %dma_start3A = arith.constant 0 : i32
      %dma_start3A_39 = arith.constant 0 : i32
      %dma_start3A_40 = tpu.memref_slice %arg4[%add3A, %dma_start3A, %dma_start3A_39] : memref<32x40x128xi32, #tpu.memory_space<hbm>> -> memref<1x40x128xi32, #tpu.memory_space<hbm>>
      %dma_start3A_41 = tpu.memref_squeeze %dma_start3A_40 : memref<1x40x128xi32, #tpu.memory_space<hbm>> -> memref<40x128xi32, #tpu.memory_space<hbm>>
      %dma_start3A_42 = arith.constant 0 : i32
      %dma_start3A_43 = arith.constant 0 : i32
      %dma_start3A_44 = tpu.memref_slice %arg4[%add3A, %dma_start3A_42, %dma_start3A_43] : memref<32x40x128xi32, #tpu.memory_space<hbm>> -> memref<1x40x128xi32, #tpu.memory_space<hbm>>
      %dma_start3A_45 = tpu.memref_squeeze %dma_start3A_44 : memref<1x40x128xi32, #tpu.memory_space<hbm>> -> memref<40x128xi32, #tpu.memory_space<hbm>>
      tpu.enqueue_dma source(%dma_start3A_45 : memref<40x128xi32, #tpu.memory_space<hbm>>) target(%arg8 : memref<40x128xi32, #tpu.memory_space<vmem>>) target_semaphore(%run_scoped3A : memref<!tpu.dma_semaphore, #tpu.memory_space<semaphore_mem>>)
      %dma_wait3A = arith.constant 0 : i32
      %dma_wait3A_46 = arith.constant 0 : i32
      %dma_wait3A_47 = tpu.memref_slice %arg4[%add3A, %dma_wait3A, %dma_wait3A_46] : memref<32x40x128xi32, #tpu.memory_space<hbm>> -> memref<1x40x128xi32, #tpu.memory_space<hbm>>
      %dma_wait3A_48 = tpu.memref_squeeze %dma_wait3A_47 : memref<1x40x128xi32, #tpu.memory_space<hbm>> -> memref<40x128xi32, #tpu.memory_space<hbm>>
      %dma_wait3A_49 = arith.constant 0 : i32
      %dma_wait3A_50 = arith.constant 0 : i32
      %dma_wait3A_51 = tpu.memref_slice %arg4[%add3A, %dma_wait3A_49, %dma_wait3A_50] : memref<32x40x128xi32, #tpu.memory_space<hbm>> -> memref<1x40x128xi32, #tpu.memory_space<hbm>>
      %dma_wait3A_52 = tpu.memref_squeeze %dma_wait3A_51 : memref<1x40x128xi32, #tpu.memory_space<hbm>> -> memref<40x128xi32, #tpu.memory_space<hbm>>
      tpu.wait_dma2 semaphore(%run_scoped3A : memref<!tpu.dma_semaphore, #tpu.memory_space<semaphore_mem>>) src(%dma_wait3A_52 : memref<40x128xi32, #tpu.memory_space<hbm>>) dst(%arg8 : memref<40x128xi32, #tpu.memory_space<vmem>>)
      tpu.yield
    }) : () -> ()
    %scan3A = arith.constant 0 : i32
    %scan3A_1 = arith.constant 40 : i32
    %scan3A_2 = arith.addi %scan3A, %scan3A_1 : i32
    %scan3A_3 = arith.constant 1 : i32
    scf.for %scan3A_39 = %scan3A to %scan3A_2 step %scan3A_3  : i32 {
      %mul3A_40 = arith.constant 1 : i32
      %mul3A_41 = arith.muli %scan3A_39, %mul3A_40 : i32
      %add3A_42 = arith.constant 0 : i32
      %add3A_43 = arith.addi %add3A_42, %mul3A_41 : i32
      %mul3A_44 = arith.constant 128 : i32
      %mul3A_45 = arith.muli %add3A_43, %mul3A_44 : i32
      %dma_start3A = arith.constant 0 : i32
      %dma_start3A_46 = tpu.memref_slice %arg9[%mul3A_45, %dma_start3A] : memref<5120x16xf32, #tpu.memory_space<vmem>> -> memref<128x16xf32, #tpu.memory_space<vmem>>
      %dma_start3A_47 = arith.constant 0 : i32
      %dma_start3A_48 = tpu.memref_slice %arg7[%add3A_43, %dma_start3A_47] : memref<40x128xi32, #tpu.memory_space<vmem>> -> memref<1x128xi32, #tpu.memory_space<vmem>>
      %dma_start3A_49 = tpu.memref_squeeze %dma_start3A_48 : memref<1x128xi32, #tpu.memory_space<vmem>> -> memref<128xi32, #tpu.memory_space<vmem>>
      %dma_start3A_50 = arith.constant 0 : i32
      %dma_start3A_51 = arith.constant 0 : i32
      %dma_start3A_52 = tpu.memref_slice %arg2[%dma_start3A_50, %dma_start3A_51] : memref<10000x16xf32, #tpu.memory_space<hbm>> -> memref<10000x16xf32, #tpu.memory_space<hbm>>
      tpu.enqueue_indirect_dma source(%dma_start3A_52 : memref<10000x16xf32, #tpu.memory_space<hbm>>) target(%dma_start3A_46 : memref<128x16xf32, #tpu.memory_space<vmem>>) offsets(%dma_start3A_49 : memref<128xi32, #tpu.memory_space<vmem>>) semaphore(%arg13 : memref<!tpu.dma_semaphore, #tpu.memory_space<semaphore_mem>>)
    }
    %scan3A_4 = arith.constant 40 : i32
    %scan3A_5 = arith.constant 0 : i32
    %scan3A_6 = arith.constant 8 : i32
    %scan3A_7 = arith.addi %scan3A_5, %scan3A_6 : i32
    %scan3A_8 = arith.constant 1 : i32
    scf.for %scan3A_39 = %scan3A_5 to %scan3A_7 step %scan3A_8  : i32 {
      %mul3A_40 = arith.constant 1 : i32
      %mul3A_41 = arith.muli %scan3A_39, %mul3A_40 : i32
      %add3A_42 = arith.constant 0 : i32
      %add3A_43 = arith.addi %add3A_42, %mul3A_41 : i32
      %broadcast_in_dim3A = arith.constant 1.000000e+00 : f32
      %broadcast_in_dim3A_44 = vector.broadcast %broadcast_in_dim3A : f32 to vector<16xf32>
      %mul3A_45 = arith.constant 16 : i32
      %mul3A_46 = arith.muli %add3A_43, %mul3A_45 : i32
      %swap3A = arith.index_cast %mul3A_46 : i32 to index
      %swap3A_47 = tpu.vector_load %arg10[%swap3A] {strides = array<i32>} : memref<128xf32, #tpu.memory_space<vmem>>, vector<16xf32>,
      %swap3A_48 = vector.shape_cast %swap3A_47 : vector<16xf32> to vector<16xf32>
      %swap3A_49 = vector.shape_cast %broadcast_in_dim3A_44 : vector<16xf32> to vector<16xf32>
      tpu.vector_store %arg10[%swap3A], %swap3A_49 {strides = array<i32>} : memref<128xf32, #tpu.memory_space<vmem>>, vector<16xf32>,
    }
    %scan3A_9 = arith.constant 8 : i32
    %scan3A_10 = arith.constant 0 : i32
    %scan3A_11 = arith.constant 40 : i32
    %scan3A_12 = arith.addi %scan3A_10, %scan3A_11 : i32
    %scan3A_13 = arith.constant 1 : i32
    scf.for %scan3A_39 = %scan3A_10 to %scan3A_12 step %scan3A_13  : i32 {
      %mul3A_40 = arith.constant 1 : i32
      %mul3A_41 = arith.muli %scan3A_39, %mul3A_40 : i32
      %add3A_42 = arith.constant 0 : i32
      %add3A_43 = arith.addi %add3A_42, %mul3A_41 : i32
      %broadcast_in_dim3A = arith.constant 0.000000e+00 : f32
      %broadcast_in_dim3A_44 = vector.broadcast %broadcast_in_dim3A : f32 to vector<16xf32>
      %mul3A_45 = arith.constant 16 : i32
      %mul3A_46 = arith.muli %add3A_43, %mul3A_45 : i32
      %swap3A = arith.index_cast %mul3A_46 : i32 to index
      %swap3A_47 = tpu.vector_load %arg11[%swap3A] {strides = array<i32>} : memref<640xf32, #tpu.memory_space<vmem>>, vector<16xf32>,
      %swap3A_48 = vector.shape_cast %swap3A_47 : vector<16xf32> to vector<16xf32>
      %swap3A_49 = vector.shape_cast %broadcast_in_dim3A_44 : vector<16xf32> to vector<16xf32>
      tpu.vector_store %arg11[%swap3A], %swap3A_49 {strides = array<i32>} : memref<640xf32, #tpu.memory_space<vmem>>, vector<16xf32>,
    }
    %scan3A_14 = arith.constant 40 : i32
    %mul3A_15 = arith.constant 640 : i32
    %mul3A_16 = arith.muli %arg1, %mul3A_15 : i32
    "tpu.region"() ({
      %run_scoped3A = tpu.sem_alloc : memref<!tpu.dma_semaphore, #tpu.memory_space<semaphore_mem>>
      %dma_start3A = tpu.memref_slice %arg12[%mul3A_16] : memref<10240xf32, #tpu.memory_space<vmem_shared>> -> memref<640xf32, #tpu.memory_space<vmem_shared>>
      %dma_start3A_39 = tpu.memref_slice %arg12[%mul3A_16] : memref<10240xf32, #tpu.memory_space<vmem_shared>> -> memref<640xf32, #tpu.memory_space<vmem_shared>>
      tpu.enqueue_dma source(%arg11 : memref<640xf32, #tpu.memory_space<vmem>>) target(%dma_start3A_39 : memref<640xf32, #tpu.memory_space<vmem_shared>>) target_semaphore(%run_scoped3A : memref<!tpu.dma_semaphore, #tpu.memory_space<semaphore_mem>>)
      %dma_wait3A = tpu.memref_slice %arg12[%mul3A_16] : memref<10240xf32, #tpu.memory_space<vmem_shared>> -> memref<640xf32, #tpu.memory_space<vmem_shared>>
      %dma_wait3A_40 = tpu.memref_slice %arg12[%mul3A_16] : memref<10240xf32, #tpu.memory_space<vmem_shared>> -> memref<640xf32, #tpu.memory_space<vmem_shared>>
      tpu.wait_dma2 semaphore(%run_scoped3A : memref<!tpu.dma_semaphore, #tpu.memory_space<semaphore_mem>>) src(%arg11 : memref<640xf32, #tpu.memory_space<vmem>>) dst(%dma_wait3A_40 : memref<640xf32, #tpu.memory_space<vmem_shared>>)
      tpu.yield
    }) : () -> ()
    %barrier3A = arith.constant 0 : index
    tpu.barrier barrier_id(%barrier3A)
    %scan3A_17 = arith.constant 0 : i32
    %scan3A_18 = arith.constant 40 : i32
    %scan3A_19 = arith.addi %scan3A_17, %scan3A_18 : i32
    %scan3A_20 = arith.constant 1 : i32
    scf.for %scan3A_39 = %scan3A_17 to %scan3A_19 step %scan3A_20  : i32 {
      %mul3A_40 = arith.constant 1 : i32
      %mul3A_41 = arith.muli %scan3A_39, %mul3A_40 : i32
      %add3A_42 = arith.constant 0 : i32
      %add3A_43 = arith.addi %add3A_42, %mul3A_41 : i32
      %dma_start3A = arith.constant 0 : i32
      %dma_start3A_44 = tpu.memref_slice %arg8[%add3A_43, %dma_start3A] : memref<40x128xi32, #tpu.memory_space<vmem>> -> memref<1x128xi32, #tpu.memory_space<vmem>>
      %dma_start3A_45 = tpu.memref_squeeze %dma_start3A_44 : memref<1x128xi32, #tpu.memory_space<vmem>> -> memref<128xi32, #tpu.memory_space<vmem>>
      %dma_start3A_46 = arith.constant 0 : i32
      %dma_start3A_47 = tpu.memref_slice %arg12[%dma_start3A_46] : memref<10240xf32, #tpu.memory_space<vmem_shared>> -> memref<10240xf32, #tpu.memory_space<vmem_shared>>
      tpu.enqueue_indirect_dma source(%arg10 : memref<128xf32, #tpu.memory_space<vmem>>) target(%dma_start3A_47 : memref<10240xf32, #tpu.memory_space<vmem_shared>>) offsets(%dma_start3A_45 : memref<128xi32, #tpu.memory_space<vmem>>) semaphore(%arg14 : memref<!tpu.dma_semaphore, #tpu.memory_space<semaphore_mem>>) {add = true}
    }
    %scan3A_21 = arith.constant 40 : i32
    %scan3A_22 = arith.constant 0 : i32
    %scan3A_23 = arith.constant 40 : i32
    %scan3A_24 = arith.addi %scan3A_22, %scan3A_23 : i32
    %scan3A_25 = arith.constant 1 : i32
    scf.for %scan3A_39 = %scan3A_22 to %scan3A_24 step %scan3A_25  : i32 {
      %mul3A_40 = arith.constant 1 : i32
      %mul3A_41 = arith.muli %scan3A_39, %mul3A_40 : i32
      %add3A_42 = arith.constant 0 : i32
      %add3A_43 = arith.addi %add3A_42, %mul3A_41 : i32
      %dma_wait3A = arith.constant 0 : i32
      %dma_wait3A_44 = tpu.memref_slice %arg8[%add3A_43, %dma_wait3A] : memref<40x128xi32, #tpu.memory_space<vmem>> -> memref<1x128xi32, #tpu.memory_space<vmem>>
      %dma_wait3A_45 = tpu.memref_squeeze %dma_wait3A_44 : memref<1x128xi32, #tpu.memory_space<vmem>> -> memref<128xi32, #tpu.memory_space<vmem>>
      %dma_wait3A_46 = arith.constant 0 : i32
      %dma_wait3A_47 = tpu.memref_slice %arg12[%dma_wait3A_46] : memref<10240xf32, #tpu.memory_space<vmem_shared>> -> memref<10240xf32, #tpu.memory_space<vmem_shared>>
      tpu.wait_indirect_dma semaphore(%arg14 : memref<!tpu.dma_semaphore, #tpu.memory_space<semaphore_mem>>) src(%arg10 : memref<128xf32, #tpu.memory_space<vmem>>) dst(%dma_wait3A_47 : memref<10240xf32, #tpu.memory_space<vmem_shared>>)
    }
    %scan3A_26 = arith.constant 40 : i32
    %barrier3A_27 = arith.constant 0 : index
    tpu.barrier barrier_id(%barrier3A_27)
    %mul3A_28 = arith.constant 640 : i32
    %mul3A_29 = arith.muli %arg1, %mul3A_28 : i32
    "tpu.region"() ({
      %run_scoped3A = tpu.sem_alloc : memref<!tpu.dma_semaphore, #tpu.memory_space<semaphore_mem>>
      %dma_start3A = tpu.memref_slice %arg12[%mul3A_29] : memref<10240xf32, #tpu.memory_space<vmem_shared>> -> memref<640xf32, #tpu.memory_space<vmem_shared>>
      %dma_start3A_39 = tpu.memref_slice %arg12[%mul3A_29] : memref<10240xf32, #tpu.memory_space<vmem_shared>> -> memref<640xf32, #tpu.memory_space<vmem_shared>>
      tpu.enqueue_dma source(%dma_start3A_39 : memref<640xf32, #tpu.memory_space<vmem_shared>>) target(%arg11 : memref<640xf32, #tpu.memory_space<vmem>>) target_semaphore(%run_scoped3A : memref<!tpu.dma_semaphore, #tpu.memory_space<semaphore_mem>>)
      %dma_wait3A = tpu.memref_slice %arg12[%mul3A_29] : memref<10240xf32, #tpu.memory_space<vmem_shared>> -> memref<640xf32, #tpu.memory_space<vmem_shared>>
      %dma_wait3A_40 = tpu.memref_slice %arg12[%mul3A_29] : memref<10240xf32, #tpu.memory_space<vmem_shared>> -> memref<640xf32, #tpu.memory_space<vmem_shared>>
      tpu.wait_dma2 semaphore(%run_scoped3A : memref<!tpu.dma_semaphore, #tpu.memory_space<semaphore_mem>>) src(%dma_wait3A_40 : memref<640xf32, #tpu.memory_space<vmem_shared>>) dst(%arg11 : memref<640xf32, #tpu.memory_space<vmem>>)
      tpu.yield
    }) : () -> ()
    %mul3A_30 = arith.constant 640 : i32
    %mul3A_31 = arith.muli %arg1, %mul3A_30 : i32
    "tpu.region"() ({
      %run_scoped3A = tpu.sem_alloc : memref<!tpu.dma_semaphore, #tpu.memory_space<semaphore_mem>>
      %dma_start3A = tpu.memref_slice %arg6[%arg0, %mul3A_31] : memref<2x10240xf32, #tpu.memory_space<hbm>> -> memref<1x640xf32, #tpu.memory_space<hbm>>
      %dma_start3A_39 = tpu.memref_squeeze %dma_start3A : memref<1x640xf32, #tpu.memory_space<hbm>> -> memref<640xf32, #tpu.memory_space<hbm>>
      %dma_start3A_40 = tpu.memref_slice %arg6[%arg0, %mul3A_31] : memref<2x10240xf32, #tpu.memory_space<hbm>> -> memref<1x640xf32, #tpu.memory_space<hbm>>
      %dma_start3A_41 = tpu.memref_squeeze %dma_start3A_40 : memref<1x640xf32, #tpu.memory_space<hbm>> -> memref<640xf32, #tpu.memory_space<hbm>>
      tpu.enqueue_dma source(%arg11 : memref<640xf32, #tpu.memory_space<vmem>>) target(%dma_start3A_41 : memref<640xf32, #tpu.memory_space<hbm>>) target_semaphore(%run_scoped3A : memref<!tpu.dma_semaphore, #tpu.memory_space<semaphore_mem>>)
      %dma_wait3A = tpu.memref_slice %arg6[%arg0, %mul3A_31] : memref<2x10240xf32, #tpu.memory_space<hbm>> -> memref<1x640xf32, #tpu.memory_space<hbm>>
      %dma_wait3A_42 = tpu.memref_squeeze %dma_wait3A : memref<1x640xf32, #tpu.memory_space<hbm>> -> memref<640xf32, #tpu.memory_space<hbm>>
      %dma_wait3A_43 = tpu.memref_slice %arg6[%arg0, %mul3A_31] : memref<2x10240xf32, #tpu.memory_space<hbm>> -> memref<1x640xf32, #tpu.memory_space<hbm>>
      %dma_wait3A_44 = tpu.memref_squeeze %dma_wait3A_43 : memref<1x640xf32, #tpu.memory_space<hbm>> -> memref<640xf32, #tpu.memory_space<hbm>>
      tpu.wait_dma2 semaphore(%run_scoped3A : memref<!tpu.dma_semaphore, #tpu.memory_space<semaphore_mem>>) src(%arg11 : memref<640xf32, #tpu.memory_space<vmem>>) dst(%dma_wait3A_44 : memref<640xf32, #tpu.memory_space<hbm>>)
      tpu.yield
    }) : () -> ()
    %scan3A_32 = arith.constant 0 : i32
    %scan3A_33 = arith.constant 40 : i32
    %scan3A_34 = arith.addi %scan3A_32, %scan3A_33 : i32
    %scan3A_35 = arith.constant 1 : i32
    scf.for %scan3A_39 = %scan3A_32 to %scan3A_34 step %scan3A_35  : i32 {
      %mul3A_40 = arith.constant 1 : i32
      %mul3A_41 = arith.muli %scan3A_39, %mul3A_40 : i32
      %add3A_42 = arith.constant 0 : i32
      %add3A_43 = arith.addi %add3A_42, %mul3A_41 : i32
      %mul3A_44 = arith.constant 128 : i32
      %mul3A_45 = arith.muli %add3A_43, %mul3A_44 : i32
      %dma_wait3A = arith.constant 0 : i32
      %dma_wait3A_46 = tpu.memref_slice %arg9[%mul3A_45, %dma_wait3A] : memref<5120x16xf32, #tpu.memory_space<vmem>> -> memref<128x16xf32, #tpu.memory_space<vmem>>
      %dma_wait3A_47 = arith.constant 0 : i32
      %dma_wait3A_48 = tpu.memref_slice %arg7[%add3A_43, %dma_wait3A_47] : memref<40x128xi32, #tpu.memory_space<vmem>> -> memref<1x128xi32, #tpu.memory_space<vmem>>
      %dma_wait3A_49 = tpu.memref_squeeze %dma_wait3A_48 : memref<1x128xi32, #tpu.memory_space<vmem>> -> memref<128xi32, #tpu.memory_space<vmem>>
      %dma_wait3A_50 = arith.constant 0 : i32
      %dma_wait3A_51 = arith.constant 0 : i32
      %dma_wait3A_52 = tpu.memref_slice %arg2[%dma_wait3A_50, %dma_wait3A_51] : memref<10000x16xf32, #tpu.memory_space<hbm>> -> memref<10000x16xf32, #tpu.memory_space<hbm>>
      tpu.wait_indirect_dma semaphore(%arg13 : memref<!tpu.dma_semaphore, #tpu.memory_space<semaphore_mem>>) src(%dma_wait3A_52 : memref<10000x16xf32, #tpu.memory_space<hbm>>) dst(%dma_wait3A_46 : memref<128x16xf32, #tpu.memory_space<vmem>>)
    }
    %scan3A_36 = arith.constant 40 : i32
    %mul3A_37 = arith.constant 5120 : i32
    %mul3A_38 = arith.muli %add3A, %mul3A_37 : i32
    "tpu.region"() ({
      %run_scoped3A = tpu.sem_alloc : memref<!tpu.dma_semaphore, #tpu.memory_space<semaphore_mem>>
      %dma_start3A = arith.constant 0 : i32
      %dma_start3A_39 = tpu.memref_slice %arg5[%mul3A_38, %dma_start3A] : memref<163840x16xf32, #tpu.memory_space<hbm>> -> memref<5120x16xf32, #tpu.memory_space<hbm>>
      %dma_start3A_40 = arith.constant 0 : i32
      %dma_start3A_41 = tpu.memref_slice %arg5[%mul3A_38, %dma_start3A_40] : memref<163840x16xf32, #tpu.memory_space<hbm>> -> memref<5120x16xf32, #tpu.memory_space<hbm>>
      tpu.enqueue_dma source(%arg9 : memref<5120x16xf32, #tpu.memory_space<vmem>>) target(%dma_start3A_41 : memref<5120x16xf32, #tpu.memory_space<hbm>>) target_semaphore(%run_scoped3A : memref<!tpu.dma_semaphore, #tpu.memory_space<semaphore_mem>>)
      %dma_wait3A = arith.constant 0 : i32
      %dma_wait3A_42 = tpu.memref_slice %arg5[%mul3A_38, %dma_wait3A] : memref<163840x16xf32, #tpu.memory_space<hbm>> -> memref<5120x16xf32, #tpu.memory_space<hbm>>
      %dma_wait3A_43 = arith.constant 0 : i32
      %dma_wait3A_44 = tpu.memref_slice %arg5[%mul3A_38, %dma_wait3A_43] : memref<163840x16xf32, #tpu.memory_space<hbm>> -> memref<5120x16xf32, #tpu.memory_space<hbm>>
      tpu.wait_dma2 semaphore(%run_scoped3A : memref<!tpu.dma_semaphore, #tpu.memory_space<semaphore_mem>>) src(%arg9 : memref<5120x16xf32, #tpu.memory_space<vmem>>) dst(%dma_wait3A_44 : memref<5120x16xf32, #tpu.memory_space<hbm>>)
      tpu.yield
    }) : () -> ()
    return
  }
}

#map = affine_map<(d0, d1) -> (0, 0)>
#map1 = affine_map<(d0, d1) -> (0, 0, 0)>
module attributes {stable_mosaic.version = 14 : i64} {
  func.func @k(%arg0: i32, %arg1: i32, %arg2: memref<10240x16xf32, #tpu.memory_space<hbm>>, %arg3: memref<32x40x128xi32, #tpu.memory_space<hbm>>, %arg4: memref<163840x16xf32, #tpu.memory_space<hbm>>, %arg5: memref<40x128xi32, #tpu.memory_space<vmem>>, %arg6: memref<5120x16xf32, #tpu.memory_space<vmem>>, %arg7: memref<!tpu.dma_semaphore, #tpu.memory_space<semaphore_mem>>) attributes {dimension_semantics = [#tpu.dimension_semantics<core_parallel>, #tpu.dimension_semantics<subcore_parallel>], iteration_bounds = array<i64: 2, 16>, scalar_prefetch = 0 : i64, scratch_operands = 3 : i64, tpu.core_type = #tpu.core_type<sc_vector_subcore>, window_params = [{transform_indices = #map}, {transform_indices = #map1}, {transform_indices = #map}]} {
    %mul3A = arith.constant 16 : i32
    %mul3A_0 = arith.muli %arg0, %mul3A : i32
    %add3A = arith.addi %mul3A_0, %arg1 : i32
    "tpu.region"() ({
      %run_scoped3A = tpu.sem_alloc : memref<!tpu.dma_semaphore, #tpu.memory_space<semaphore_mem>>
      %dma_start3A = arith.constant 0 : i32
      %dma_start3A_12 = arith.constant 0 : i32
      %dma_start3A_13 = tpu.memref_slice %arg3[%add3A, %dma_start3A, %dma_start3A_12] : memref<32x40x128xi32, #tpu.memory_space<hbm>> -> memref<1x40x128xi32, #tpu.memory_space<hbm>>
      %dma_start3A_14 = tpu.memref_squeeze %dma_start3A_13 : memref<1x40x128xi32, #tpu.memory_space<hbm>> -> memref<40x128xi32, #tpu.memory_space<hbm>>
      %dma_start3A_15 = arith.constant 0 : i32
      %dma_start3A_16 = arith.constant 0 : i32
      %dma_start3A_17 = tpu.memref_slice %arg3[%add3A, %dma_start3A_15, %dma_start3A_16] : memref<32x40x128xi32, #tpu.memory_space<hbm>> -> memref<1x40x128xi32, #tpu.memory_space<hbm>>
      %dma_start3A_18 = tpu.memref_squeeze %dma_start3A_17 : memref<1x40x128xi32, #tpu.memory_space<hbm>> -> memref<40x128xi32, #tpu.memory_space<hbm>>
      tpu.enqueue_dma source(%dma_start3A_18 : memref<40x128xi32, #tpu.memory_space<hbm>>) target(%arg5 : memref<40x128xi32, #tpu.memory_space<vmem>>) target_semaphore(%run_scoped3A : memref<!tpu.dma_semaphore, #tpu.memory_space<semaphore_mem>>)
      %dma_wait3A = arith.constant 0 : i32
      %dma_wait3A_19 = arith.constant 0 : i32
      %dma_wait3A_20 = tpu.memref_slice %arg3[%add3A, %dma_wait3A, %dma_wait3A_19] : memref<32x40x128xi32, #tpu.memory_space<hbm>> -> memref<1x40x128xi32, #tpu.memory_space<hbm>>
      %dma_wait3A_21 = tpu.memref_squeeze %dma_wait3A_20 : memref<1x40x128xi32, #tpu.memory_space<hbm>> -> memref<40x128xi32, #tpu.memory_space<hbm>>
      %dma_wait3A_22 = arith.constant 0 : i32
      %dma_wait3A_23 = arith.constant 0 : i32
      %dma_wait3A_24 = tpu.memref_slice %arg3[%add3A, %dma_wait3A_22, %dma_wait3A_23] : memref<32x40x128xi32, #tpu.memory_space<hbm>> -> memref<1x40x128xi32, #tpu.memory_space<hbm>>
      %dma_wait3A_25 = tpu.memref_squeeze %dma_wait3A_24 : memref<1x40x128xi32, #tpu.memory_space<hbm>> -> memref<40x128xi32, #tpu.memory_space<hbm>>
      tpu.wait_dma2 semaphore(%run_scoped3A : memref<!tpu.dma_semaphore, #tpu.memory_space<semaphore_mem>>) src(%dma_wait3A_25 : memref<40x128xi32, #tpu.memory_space<hbm>>) dst(%arg5 : memref<40x128xi32, #tpu.memory_space<vmem>>)
      tpu.yield
    }) : () -> ()
    %scan3A = arith.constant 0 : i32
    %scan3A_1 = arith.constant 40 : i32
    %scan3A_2 = arith.addi %scan3A, %scan3A_1 : i32
    %scan3A_3 = arith.constant 1 : i32
    scf.for %scan3A_12 = %scan3A to %scan3A_2 step %scan3A_3  : i32 {
      %mul3A_13 = arith.constant 1 : i32
      %mul3A_14 = arith.muli %scan3A_12, %mul3A_13 : i32
      %add3A_15 = arith.constant 0 : i32
      %add3A_16 = arith.addi %add3A_15, %mul3A_14 : i32
      %mul3A_17 = arith.constant 128 : i32
      %mul3A_18 = arith.muli %add3A_16, %mul3A_17 : i32
      %dma_start3A = arith.constant 0 : i32
      %dma_start3A_19 = tpu.memref_slice %arg6[%mul3A_18, %dma_start3A] : memref<5120x16xf32, #tpu.memory_space<vmem>> -> memref<128x16xf32, #tpu.memory_space<vmem>>
      %dma_start3A_20 = arith.constant 0 : i32
      %dma_start3A_21 = tpu.memref_slice %arg5[%add3A_16, %dma_start3A_20] : memref<40x128xi32, #tpu.memory_space<vmem>> -> memref<1x128xi32, #tpu.memory_space<vmem>>
      %dma_start3A_22 = tpu.memref_squeeze %dma_start3A_21 : memref<1x128xi32, #tpu.memory_space<vmem>> -> memref<128xi32, #tpu.memory_space<vmem>>
      %dma_start3A_23 = arith.constant 0 : i32
      %dma_start3A_24 = arith.constant 0 : i32
      %dma_start3A_25 = tpu.memref_slice %arg2[%dma_start3A_23, %dma_start3A_24] : memref<10240x16xf32, #tpu.memory_space<hbm>> -> memref<10240x16xf32, #tpu.memory_space<hbm>>
      tpu.enqueue_indirect_dma source(%dma_start3A_25 : memref<10240x16xf32, #tpu.memory_space<hbm>>) target(%dma_start3A_19 : memref<128x16xf32, #tpu.memory_space<vmem>>) offsets(%dma_start3A_22 : memref<128xi32, #tpu.memory_space<vmem>>) semaphore(%arg7 : memref<!tpu.dma_semaphore, #tpu.memory_space<semaphore_mem>>)
    }
    %scan3A_4 = arith.constant 40 : i32
    %scan3A_5 = arith.constant 0 : i32
    %scan3A_6 = arith.constant 40 : i32
    %scan3A_7 = arith.addi %scan3A_5, %scan3A_6 : i32
    %scan3A_8 = arith.constant 1 : i32
    scf.for %scan3A_12 = %scan3A_5 to %scan3A_7 step %scan3A_8  : i32 {
      %mul3A_13 = arith.constant 1 : i32
      %mul3A_14 = arith.muli %scan3A_12, %mul3A_13 : i32
      %add3A_15 = arith.constant 0 : i32
      %add3A_16 = arith.addi %add3A_15, %mul3A_14 : i32
      %mul3A_17 = arith.constant 128 : i32
      %mul3A_18 = arith.muli %add3A_16, %mul3A_17 : i32
      %dma_wait3A = arith.constant 0 : i32
      %dma_wait3A_19 = tpu.memref_slice %arg6[%mul3A_18, %dma_wait3A] : memref<5120x16xf32, #tpu.memory_space<vmem>> -> memref<128x16xf32, #tpu.memory_space<vmem>>
      %dma_wait3A_20 = arith.constant 0 : i32
      %dma_wait3A_21 = tpu.memref_slice %arg5[%add3A_16, %dma_wait3A_20] : memref<40x128xi32, #tpu.memory_space<vmem>> -> memref<1x128xi32, #tpu.memory_space<vmem>>
      %dma_wait3A_22 = tpu.memref_squeeze %dma_wait3A_21 : memref<1x128xi32, #tpu.memory_space<vmem>> -> memref<128xi32, #tpu.memory_space<vmem>>
      %dma_wait3A_23 = arith.constant 0 : i32
      %dma_wait3A_24 = arith.constant 0 : i32
      %dma_wait3A_25 = tpu.memref_slice %arg2[%dma_wait3A_23, %dma_wait3A_24] : memref<10240x16xf32, #tpu.memory_space<hbm>> -> memref<10240x16xf32, #tpu.memory_space<hbm>>
      tpu.wait_indirect_dma semaphore(%arg7 : memref<!tpu.dma_semaphore, #tpu.memory_space<semaphore_mem>>) src(%dma_wait3A_25 : memref<10240x16xf32, #tpu.memory_space<hbm>>) dst(%dma_wait3A_19 : memref<128x16xf32, #tpu.memory_space<vmem>>)
    }
    %scan3A_9 = arith.constant 40 : i32
    %mul3A_10 = arith.constant 5120 : i32
    %mul3A_11 = arith.muli %add3A, %mul3A_10 : i32
    "tpu.region"() ({
      %run_scoped3A = tpu.sem_alloc : memref<!tpu.dma_semaphore, #tpu.memory_space<semaphore_mem>>
      %dma_start3A = arith.constant 0 : i32
      %dma_start3A_12 = tpu.memref_slice %arg4[%mul3A_11, %dma_start3A] : memref<163840x16xf32, #tpu.memory_space<hbm>> -> memref<5120x16xf32, #tpu.memory_space<hbm>>
      %dma_start3A_13 = arith.constant 0 : i32
      %dma_start3A_14 = tpu.memref_slice %arg4[%mul3A_11, %dma_start3A_13] : memref<163840x16xf32, #tpu.memory_space<hbm>> -> memref<5120x16xf32, #tpu.memory_space<hbm>>
      tpu.enqueue_dma source(%arg6 : memref<5120x16xf32, #tpu.memory_space<vmem>>) target(%dma_start3A_14 : memref<5120x16xf32, #tpu.memory_space<hbm>>) target_semaphore(%run_scoped3A : memref<!tpu.dma_semaphore, #tpu.memory_space<semaphore_mem>>)
      %dma_wait3A = arith.constant 0 : i32
      %dma_wait3A_15 = tpu.memref_slice %arg4[%mul3A_11, %dma_wait3A] : memref<163840x16xf32, #tpu.memory_space<hbm>> -> memref<5120x16xf32, #tpu.memory_space<hbm>>
      %dma_wait3A_16 = arith.constant 0 : i32
      %dma_wait3A_17 = tpu.memref_slice %arg4[%mul3A_11, %dma_wait3A_16] : memref<163840x16xf32, #tpu.memory_space<hbm>> -> memref<5120x16xf32, #tpu.memory_space<hbm>>
      tpu.wait_dma2 semaphore(%run_scoped3A : memref<!tpu.dma_semaphore, #tpu.memory_space<semaphore_mem>>) src(%arg6 : memref<5120x16xf32, #tpu.memory_space<vmem>>) dst(%dma_wait3A_17 : memref<5120x16xf32, #tpu.memory_space<hbm>>)
      tpu.yield
    }) : () -> ()
    return
  }
}

#map = affine_map<(d0, d1) -> (0, 0)>
#map1 = affine_map<(d0, d1) -> (0, 0, 0)>
module attributes {stable_mosaic.version = 14 : i64} {
  func.func @k(%arg0: i32, %arg1: i32, %arg2: memref<163840x16xf32, #tpu.memory_space<hbm>>, %arg3: memref<32x40x128xi32, #tpu.memory_space<hbm>>, %arg4: memref<2x10240x16xf32, #tpu.memory_space<hbm>>, %arg5: memref<40x128xi32, #tpu.memory_space<vmem>>, %arg6: memref<128x16xf32, #tpu.memory_space<vmem>>, %arg7: memref<128x16xf32, #tpu.memory_space<vmem>>, %arg8: memref<128x16xf32, #tpu.memory_space<vmem>>, %arg9: memref<128x16xf32, #tpu.memory_space<vmem>>, %arg10: memref<640x16xf32, #tpu.memory_space<vmem>>, %arg11: memref<10240x16xf32, #tpu.memory_space<vmem_shared>>, %arg12: memref<!tpu.dma_semaphore, #tpu.memory_space<semaphore_mem>>, %arg13: memref<!tpu.dma_semaphore, #tpu.memory_space<semaphore_mem>>) attributes {dimension_semantics = [#tpu.dimension_semantics<core_parallel>, #tpu.dimension_semantics<subcore_parallel>], iteration_bounds = array<i64: 2, 16>, scalar_prefetch = 0 : i64, scratch_operands = 9 : i64, tpu.core_type = #tpu.core_type<sc_vector_subcore>, window_params = [{transform_indices = #map}, {transform_indices = #map1}, {transform_indices = #map1}]} {
    %mul3A = arith.constant 16 : i32
    %mul3A_0 = arith.muli %arg0, %mul3A : i32
    %add3A = arith.addi %mul3A_0, %arg1 : i32
    "tpu.region"() ({
      %run_scoped3A = tpu.sem_alloc : memref<!tpu.dma_semaphore, #tpu.memory_space<semaphore_mem>>
      %dma_start3A = arith.constant 0 : i32
      %dma_start3A_24 = arith.constant 0 : i32
      %dma_start3A_25 = tpu.memref_slice %arg3[%add3A, %dma_start3A, %dma_start3A_24] : memref<32x40x128xi32, #tpu.memory_space<hbm>> -> memref<1x40x128xi32, #tpu.memory_space<hbm>>
      %dma_start3A_26 = tpu.memref_squeeze %dma_start3A_25 : memref<1x40x128xi32, #tpu.memory_space<hbm>> -> memref<40x128xi32, #tpu.memory_space<hbm>>
      %dma_start3A_27 = arith.constant 0 : i32
      %dma_start3A_28 = arith.constant 0 : i32
      %dma_start3A_29 = tpu.memref_slice %arg3[%add3A, %dma_start3A_27, %dma_start3A_28] : memref<32x40x128xi32, #tpu.memory_space<hbm>> -> memref<1x40x128xi32, #tpu.memory_space<hbm>>
      %dma_start3A_30 = tpu.memref_squeeze %dma_start3A_29 : memref<1x40x128xi32, #tpu.memory_space<hbm>> -> memref<40x128xi32, #tpu.memory_space<hbm>>
      tpu.enqueue_dma source(%dma_start3A_30 : memref<40x128xi32, #tpu.memory_space<hbm>>) target(%arg5 : memref<40x128xi32, #tpu.memory_space<vmem>>) target_semaphore(%run_scoped3A : memref<!tpu.dma_semaphore, #tpu.memory_space<semaphore_mem>>)
      %dma_wait3A = arith.constant 0 : i32
      %dma_wait3A_31 = arith.constant 0 : i32
      %dma_wait3A_32 = tpu.memref_slice %arg3[%add3A, %dma_wait3A, %dma_wait3A_31] : memref<32x40x128xi32, #tpu.memory_space<hbm>> -> memref<1x40x128xi32, #tpu.memory_space<hbm>>
      %dma_wait3A_33 = tpu.memref_squeeze %dma_wait3A_32 : memref<1x40x128xi32, #tpu.memory_space<hbm>> -> memref<40x128xi32, #tpu.memory_space<hbm>>
      %dma_wait3A_34 = arith.constant 0 : i32
      %dma_wait3A_35 = arith.constant 0 : i32
      %dma_wait3A_36 = tpu.memref_slice %arg3[%add3A, %dma_wait3A_34, %dma_wait3A_35] : memref<32x40x128xi32, #tpu.memory_space<hbm>> -> memref<1x40x128xi32, #tpu.memory_space<hbm>>
      %dma_wait3A_37 = tpu.memref_squeeze %dma_wait3A_36 : memref<1x40x128xi32, #tpu.memory_space<hbm>> -> memref<40x128xi32, #tpu.memory_space<hbm>>
      tpu.wait_dma2 semaphore(%run_scoped3A : memref<!tpu.dma_semaphore, #tpu.memory_space<semaphore_mem>>) src(%dma_wait3A_37 : memref<40x128xi32, #tpu.memory_space<hbm>>) dst(%arg5 : memref<40x128xi32, #tpu.memory_space<vmem>>)
      tpu.yield
    }) : () -> ()
    %scan3A = arith.constant 0 : i32
    %scan3A_1 = arith.constant 640 : i32
    %scan3A_2 = arith.addi %scan3A, %scan3A_1 : i32
    %scan3A_3 = arith.constant 1 : i32
    scf.for %scan3A_24 = %scan3A to %scan3A_2 step %scan3A_3  : i32 {
      %mul3A_25 = arith.constant 1 : i32
      %mul3A_26 = arith.muli %scan3A_24, %mul3A_25 : i32
      %add3A_27 = arith.constant 0 : i32
      %add3A_28 = arith.addi %add3A_27, %mul3A_26 : i32
      %broadcast_in_dim3A = arith.constant 0.000000e+00 : f32
      %broadcast_in_dim3A_29 = vector.broadcast %broadcast_in_dim3A : f32 to vector<16xf32>
      %swap3A = arith.index_cast %add3A_28 : i32 to index
      %swap3A_30 = arith.constant 0 : index
      %swap3A_31 = tpu.vector_load %arg10[%swap3A, %swap3A_30] {strides = array<i32>} : memref<640x16xf32, #tpu.memory_space<vmem>>, vector<1x16xf32>,
      %swap3A_32 = vector.shape_cast %swap3A_31 : vector<1x16xf32> to vector<16xf32>
      %swap3A_33 = vector.shape_cast %broadcast_in_dim3A_29 : vector<16xf32> to vector<1x16xf32>
      tpu.vector_store %arg10[%swap3A, %swap3A_30], %swap3A_33 {strides = array<i32>} : memref<640x16xf32, #tpu.memory_space<vmem>>, vector<1x16xf32>,
    }
    %scan3A_4 = arith.constant 640 : i32
    %mul3A_5 = arith.constant 640 : i32
    %mul3A_6 = arith.muli %arg1, %mul3A_5 : i32
    "tpu.region"() ({
      %run_scoped3A = tpu.sem_alloc : memref<!tpu.dma_semaphore, #tpu.memory_space<semaphore_mem>>
      %dma_start3A = arith.constant 0 : i32
      %dma_start3A_24 = tpu.memref_slice %arg11[%mul3A_6, %dma_start3A] : memref<10240x16xf32, #tpu.memory_space<vmem_shared>> -> memref<640x16xf32, #tpu.memory_space<vmem_shared>>
      %dma_start3A_25 = arith.constant 0 : i32
      %dma_start3A_26 = tpu.memref_slice %arg11[%mul3A_6, %dma_start3A_25] : memref<10240x16xf32, #tpu.memory_space<vmem_shared>> -> memref<640x16xf32, #tpu.memory_space<vmem_shared>>
      tpu.enqueue_dma source(%arg10 : memref<640x16xf32, #tpu.memory_space<vmem>>) target(%dma_start3A_26 : memref<640x16xf32, #tpu.memory_space<vmem_shared>>) target_semaphore(%run_scoped3A : memref<!tpu.dma_semaphore, #tpu.memory_space<semaphore_mem>>)
      %dma_wait3A = arith.constant 0 : i32
      %dma_wait3A_27 = tpu.memref_slice %arg11[%mul3A_6, %dma_wait3A] : memref<10240x16xf32, #tpu.memory_space<vmem_shared>> -> memref<640x16xf32, #tpu.memory_space<vmem_shared>>
      %dma_wait3A_28 = arith.constant 0 : i32
      %dma_wait3A_29 = tpu.memref_slice %arg11[%mul3A_6, %dma_wait3A_28] : memref<10240x16xf32, #tpu.memory_space<vmem_shared>> -> memref<640x16xf32, #tpu.memory_space<vmem_shared>>
      tpu.wait_dma2 semaphore(%run_scoped3A : memref<!tpu.dma_semaphore, #tpu.memory_space<semaphore_mem>>) src(%arg10 : memref<640x16xf32, #tpu.memory_space<vmem>>) dst(%dma_wait3A_29 : memref<640x16xf32, #tpu.memory_space<vmem_shared>>)
      tpu.yield
    }) : () -> ()
    %barrier3A = arith.constant 0 : index
    tpu.barrier barrier_id(%barrier3A)
    %mul3A_7 = arith.constant 5120 : i32
    %mul3A_8 = arith.muli %add3A, %mul3A_7 : i32
    %scan3A_9 = arith.constant 0 : i32
    %scan3A_10 = arith.constant 10 : i32
    %scan3A_11 = arith.addi %scan3A_9, %scan3A_10 : i32
    %scan3A_12 = arith.constant 1 : i32
    scf.for %scan3A_24 = %scan3A_9 to %scan3A_11 step %scan3A_12  : i32 {
      %mul3A_25 = arith.constant 1 : i32
      %mul3A_26 = arith.muli %scan3A_24, %mul3A_25 : i32
      %add3A_27 = arith.constant 0 : i32
      %add3A_28 = arith.addi %add3A_27, %mul3A_26 : i32
      %mul3A_29 = arith.constant 4 : i32
      %mul3A_30 = arith.muli %mul3A_29, %add3A_28 : i32
      %gt3A = arith.constant 0 : i32
      %gt3A_31 = arith.cmpi sgt, %add3A_28, %gt3A : i32
      %convert_element_type3A = arith.extui %gt3A_31 : i1 to i32
      %cond3A = arith.constant 0 : i32
      %cond3A_32 = arith.cmpi ne, %convert_element_type3A, %cond3A : i32
      scf.if %cond3A_32 {
        %dma_wait3A_135 = arith.constant 0 : i32
        %dma_wait3A_136 = arith.constant 0 : i32
        %dma_wait3A_137 = tpu.memref_slice %arg2[%dma_wait3A_135, %dma_wait3A_136] : memref<163840x16xf32, #tpu.memory_space<hbm>> -> memref<128x16xf32, #tpu.memory_space<hbm>>
        %dma_wait3A_138 = arith.constant 0 : i32
        %dma_wait3A_139 = arith.constant 0 : i32
        %dma_wait3A_140 = tpu.memref_slice %arg2[%dma_wait3A_138, %dma_wait3A_139] : memref<163840x16xf32, #tpu.memory_space<hbm>> -> memref<128x16xf32, #tpu.memory_space<hbm>>
        tpu.wait_dma2 semaphore(%arg13 : memref<!tpu.dma_semaphore, #tpu.memory_space<semaphore_mem>>) src(%dma_wait3A_140 : memref<128x16xf32, #tpu.memory_space<hbm>>) dst(%arg6 : memref<128x16xf32, #tpu.memory_space<vmem>>)
        %dma_wait3A_141 = arith.constant 0 : i32
        %dma_wait3A_142 = arith.constant 0 : i32
        %dma_wait3A_143 = tpu.memref_slice %arg2[%dma_wait3A_141, %dma_wait3A_142] : memref<163840x16xf32, #tpu.memory_space<hbm>> -> memref<128x16xf32, #tpu.memory_space<hbm>>
        %dma_wait3A_144 = arith.constant 0 : i32
        %dma_wait3A_145 = arith.constant 0 : i32
        %dma_wait3A_146 = tpu.memref_slice %arg2[%dma_wait3A_144, %dma_wait3A_145] : memref<163840x16xf32, #tpu.memory_space<hbm>> -> memref<128x16xf32, #tpu.memory_space<hbm>>
        tpu.wait_dma2 semaphore(%arg13 : memref<!tpu.dma_semaphore, #tpu.memory_space<semaphore_mem>>) src(%dma_wait3A_146 : memref<128x16xf32, #tpu.memory_space<hbm>>) dst(%arg7 : memref<128x16xf32, #tpu.memory_space<vmem>>)
        %dma_wait3A_147 = arith.constant 0 : i32
        %dma_wait3A_148 = arith.constant 0 : i32
        %dma_wait3A_149 = tpu.memref_slice %arg2[%dma_wait3A_147, %dma_wait3A_148] : memref<163840x16xf32, #tpu.memory_space<hbm>> -> memref<128x16xf32, #tpu.memory_space<hbm>>
        %dma_wait3A_150 = arith.constant 0 : i32
        %dma_wait3A_151 = arith.constant 0 : i32
        %dma_wait3A_152 = tpu.memref_slice %arg2[%dma_wait3A_150, %dma_wait3A_151] : memref<163840x16xf32, #tpu.memory_space<hbm>> -> memref<128x16xf32, #tpu.memory_space<hbm>>
        tpu.wait_dma2 semaphore(%arg13 : memref<!tpu.dma_semaphore, #tpu.memory_space<semaphore_mem>>) src(%dma_wait3A_152 : memref<128x16xf32, #tpu.memory_space<hbm>>) dst(%arg8 : memref<128x16xf32, #tpu.memory_space<vmem>>)
        %dma_wait3A_153 = arith.constant 0 : i32
        %dma_wait3A_154 = arith.constant 0 : i32
        %dma_wait3A_155 = tpu.memref_slice %arg2[%dma_wait3A_153, %dma_wait3A_154] : memref<163840x16xf32, #tpu.memory_space<hbm>> -> memref<128x16xf32, #tpu.memory_space<hbm>>
        %dma_wait3A_156 = arith.constant 0 : i32
        %dma_wait3A_157 = arith.constant 0 : i32
        %dma_wait3A_158 = tpu.memref_slice %arg2[%dma_wait3A_156, %dma_wait3A_157] : memref<163840x16xf32, #tpu.memory_space<hbm>> -> memref<128x16xf32, #tpu.memory_space<hbm>>
        tpu.wait_dma2 semaphore(%arg13 : memref<!tpu.dma_semaphore, #tpu.memory_space<semaphore_mem>>) src(%dma_wait3A_158 : memref<128x16xf32, #tpu.memory_space<hbm>>) dst(%arg9 : memref<128x16xf32, #tpu.memory_space<vmem>>)
      } else {
      }
      %add3A_33 = arith.constant 0 : i32
      %add3A_34 = arith.addi %mul3A_30, %add3A_33 : i32
      %mul3A_35 = arith.constant 128 : i32
      %mul3A_36 = arith.muli %add3A_34, %mul3A_35 : i32
      %add3A_37 = arith.addi %mul3A_8, %mul3A_36 : i32
      %dma_start3A = arith.constant 0 : i32
      %dma_start3A_38 = tpu.memref_slice %arg2[%add3A_37, %dma_start3A] : memref<163840x16xf32, #tpu.memory_space<hbm>> -> memref<128x16xf32, #tpu.memory_space<hbm>>
      %dma_start3A_39 = arith.constant 0 : i32
      %dma_start3A_40 = tpu.memref_slice %arg2[%add3A_37, %dma_start3A_39] : memref<163840x16xf32, #tpu.memory_space<hbm>> -> memref<128x16xf32, #tpu.memory_space<hbm>>
      tpu.enqueue_dma source(%dma_start3A_40 : memref<128x16xf32, #tpu.memory_space<hbm>>) target(%arg6 : memref<128x16xf32, #tpu.memory_space<vmem>>) target_semaphore(%arg12 : memref<!tpu.dma_semaphore, #tpu.memory_space<semaphore_mem>>)
      %add3A_41 = arith.constant 1 : i32
      %add3A_42 = arith.addi %mul3A_30, %add3A_41 : i32
      %mul3A_43 = arith.constant 128 : i32
      %mul3A_44 = arith.muli %add3A_42, %mul3A_43 : i32
      %add3A_45 = arith.addi %mul3A_8, %mul3A_44 : i32
      %dma_start3A_46 = arith.constant 0 : i32
      %dma_start3A_47 = tpu.memref_slice %arg2[%add3A_45, %dma_start3A_46] : memref<163840x16xf32, #tpu.memory_space<hbm>> -> memref<128x16xf32, #tpu.memory_space<hbm>>
      %dma_start3A_48 = arith.constant 0 : i32
      %dma_start3A_49 = tpu.memref_slice %arg2[%add3A_45, %dma_start3A_48] : memref<163840x16xf32, #tpu.memory_space<hbm>> -> memref<128x16xf32, #tpu.memory_space<hbm>>
      tpu.enqueue_dma source(%dma_start3A_49 : memref<128x16xf32, #tpu.memory_space<hbm>>) target(%arg7 : memref<128x16xf32, #tpu.memory_space<vmem>>) target_semaphore(%arg12 : memref<!tpu.dma_semaphore, #tpu.memory_space<semaphore_mem>>)
      %add3A_50 = arith.constant 2 : i32
      %add3A_51 = arith.addi %mul3A_30, %add3A_50 : i32
      %mul3A_52 = arith.constant 128 : i32
      %mul3A_53 = arith.muli %add3A_51, %mul3A_52 : i32
      %add3A_54 = arith.addi %mul3A_8, %mul3A_53 : i32
      %dma_start3A_55 = arith.constant 0 : i32
      %dma_start3A_56 = tpu.memref_slice %arg2[%add3A_54, %dma_start3A_55] : memref<163840x16xf32, #tpu.memory_space<hbm>> -> memref<128x16xf32, #tpu.memory_space<hbm>>
      %dma_start3A_57 = arith.constant 0 : i32
      %dma_start3A_58 = tpu.memref_slice %arg2[%add3A_54, %dma_start3A_57] : memref<163840x16xf32, #tpu.memory_space<hbm>> -> memref<128x16xf32, #tpu.memory_space<hbm>>
      tpu.enqueue_dma source(%dma_start3A_58 : memref<128x16xf32, #tpu.memory_space<hbm>>) target(%arg8 : memref<128x16xf32, #tpu.memory_space<vmem>>) target_semaphore(%arg12 : memref<!tpu.dma_semaphore, #tpu.memory_space<semaphore_mem>>)
      %add3A_59 = arith.constant 3 : i32
      %add3A_60 = arith.addi %mul3A_30, %add3A_59 : i32
      %mul3A_61 = arith.constant 128 : i32
      %mul3A_62 = arith.muli %add3A_60, %mul3A_61 : i32
      %add3A_63 = arith.addi %mul3A_8, %mul3A_62 : i32
      %dma_start3A_64 = arith.constant 0 : i32
      %dma_start3A_65 = tpu.memref_slice %arg2[%add3A_63, %dma_start3A_64] : memref<163840x16xf32, #tpu.memory_space<hbm>> -> memref<128x16xf32, #tpu.memory_space<hbm>>
      %dma_start3A_66 = arith.constant 0 : i32
      %dma_start3A_67 = tpu.memref_slice %arg2[%add3A_63, %dma_start3A_66] : memref<163840x16xf32, #tpu.memory_space<hbm>> -> memref<128x16xf32, #tpu.memory_space<hbm>>
      tpu.enqueue_dma source(%dma_start3A_67 : memref<128x16xf32, #tpu.memory_space<hbm>>) target(%arg9 : memref<128x16xf32, #tpu.memory_space<vmem>>) target_semaphore(%arg12 : memref<!tpu.dma_semaphore, #tpu.memory_space<semaphore_mem>>)
      %add3A_68 = arith.constant 0 : i32
      %add3A_69 = arith.addi %mul3A_30, %add3A_68 : i32
      %mul3A_70 = arith.constant 128 : i32
      %mul3A_71 = arith.muli %add3A_69, %mul3A_70 : i32
      %add3A_72 = arith.addi %mul3A_8, %mul3A_71 : i32
      %dma_wait3A = arith.constant 0 : i32
      %dma_wait3A_73 = tpu.memref_slice %arg2[%add3A_72, %dma_wait3A] : memref<163840x16xf32, #tpu.memory_space<hbm>> -> memref<128x16xf32, #tpu.memory_space<hbm>>
      %dma_wait3A_74 = arith.constant 0 : i32
      %dma_wait3A_75 = tpu.memref_slice %arg2[%add3A_72, %dma_wait3A_74] : memref<163840x16xf32, #tpu.memory_space<hbm>> -> memref<128x16xf32, #tpu.memory_space<hbm>>
      tpu.wait_dma2 semaphore(%arg12 : memref<!tpu.dma_semaphore, #tpu.memory_space<semaphore_mem>>) src(%dma_wait3A_75 : memref<128x16xf32, #tpu.memory_space<hbm>>) dst(%arg6 : memref<128x16xf32, #tpu.memory_space<vmem>>)
      %add3A_76 = arith.constant 0 : i32
      %add3A_77 = arith.addi %mul3A_30, %add3A_76 : i32
      %dma_start3A_78 = arith.constant 0 : i32
      %dma_start3A_79 = tpu.memref_slice %arg5[%add3A_77, %dma_start3A_78] : memref<40x128xi32, #tpu.memory_space<vmem>> -> memref<1x128xi32, #tpu.memory_space<vmem>>
      %dma_start3A_80 = tpu.memref_squeeze %dma_start3A_79 : memref<1x128xi32, #tpu.memory_space<vmem>> -> memref<128xi32, #tpu.memory_space<vmem>>
      %dma_start3A_81 = arith.constant 0 : i32
      %dma_start3A_82 = arith.constant 0 : i32
      %dma_start3A_83 = tpu.memref_slice %arg11[%dma_start3A_81, %dma_start3A_82] : memref<10240x16xf32, #tpu.memory_space<vmem_shared>> -> memref<10240x16xf32, #tpu.memory_space<vmem_shared>>
      tpu.enqueue_indirect_dma source(%arg6 : memref<128x16xf32, #tpu.memory_space<vmem>>) target(%dma_start3A_83 : memref<10240x16xf32, #tpu.memory_space<vmem_shared>>) offsets(%dma_start3A_80 : memref<128xi32, #tpu.memory_space<vmem>>) semaphore(%arg13 : memref<!tpu.dma_semaphore, #tpu.memory_space<semaphore_mem>>) {add = true}
      %add3A_84 = arith.constant 1 : i32
      %add3A_85 = arith.addi %mul3A_30, %add3A_84 : i32
      %mul3A_86 = arith.constant 128 : i32
      %mul3A_87 = arith.muli %add3A_85, %mul3A_86 : i32
      %add3A_88 = arith.addi %mul3A_8, %mul3A_87 : i32
      %dma_wait3A_89 = arith.constant 0 : i32
      %dma_wait3A_90 = tpu.memref_slice %arg2[%add3A_88, %dma_wait3A_89] : memref<163840x16xf32, #tpu.memory_space<hbm>> -> memref<128x16xf32, #tpu.memory_space<hbm>>
      %dma_wait3A_91 = arith.constant 0 : i32
      %dma_wait3A_92 = tpu.memref_slice %arg2[%add3A_88, %dma_wait3A_91] : memref<163840x16xf32, #tpu.memory_space<hbm>> -> memref<128x16xf32, #tpu.memory_space<hbm>>
      tpu.wait_dma2 semaphore(%arg12 : memref<!tpu.dma_semaphore, #tpu.memory_space<semaphore_mem>>) src(%dma_wait3A_92 : memref<128x16xf32, #tpu.memory_space<hbm>>) dst(%arg7 : memref<128x16xf32, #tpu.memory_space<vmem>>)
      %add3A_93 = arith.constant 1 : i32
      %add3A_94 = arith.addi %mul3A_30, %add3A_93 : i32
      %dma_start3A_95 = arith.constant 0 : i32
      %dma_start3A_96 = tpu.memref_slice %arg5[%add3A_94, %dma_start3A_95] : memref<40x128xi32, #tpu.memory_space<vmem>> -> memref<1x128xi32, #tpu.memory_space<vmem>>
      %dma_start3A_97 = tpu.memref_squeeze %dma_start3A_96 : memref<1x128xi32, #tpu.memory_space<vmem>> -> memref<128xi32, #tpu.memory_space<vmem>>
      %dma_start3A_98 = arith.constant 0 : i32
      %dma_start3A_99 = arith.constant 0 : i32
      %dma_start3A_100 = tpu.memref_slice %arg11[%dma_start3A_98, %dma_start3A_99] : memref<10240x16xf32, #tpu.memory_space<vmem_shared>> -> memref<10240x16xf32, #tpu.memory_space<vmem_shared>>
      tpu.enqueue_indirect_dma source(%arg7 : memref<128x16xf32, #tpu.memory_space<vmem>>) target(%dma_start3A_100 : memref<10240x16xf32, #tpu.memory_space<vmem_shared>>) offsets(%dma_start3A_97 : memref<128xi32, #tpu.memory_space<vmem>>) semaphore(%arg13 : memref<!tpu.dma_semaphore, #tpu.memory_space<semaphore_mem>>) {add = true}
      %add3A_101 = arith.constant 2 : i32
      %add3A_102 = arith.addi %mul3A_30, %add3A_101 : i32
      %mul3A_103 = arith.constant 128 : i32
      %mul3A_104 = arith.muli %add3A_102, %mul3A_103 : i32
      %add3A_105 = arith.addi %mul3A_8, %mul3A_104 : i32
      %dma_wait3A_106 = arith.constant 0 : i32
      %dma_wait3A_107 = tpu.memref_slice %arg2[%add3A_105, %dma_wait3A_106] : memref<163840x16xf32, #tpu.memory_space<hbm>> -> memref<128x16xf32, #tpu.memory_space<hbm>>
      %dma_wait3A_108 = arith.constant 0 : i32
      %dma_wait3A_109 = tpu.memref_slice %arg2[%add3A_105, %dma_wait3A_108] : memref<163840x16xf32, #tpu.memory_space<hbm>> -> memref<128x16xf32, #tpu.memory_space<hbm>>
      tpu.wait_dma2 semaphore(%arg12 : memref<!tpu.dma_semaphore, #tpu.memory_space<semaphore_mem>>) src(%dma_wait3A_109 : memref<128x16xf32, #tpu.memory_space<hbm>>) dst(%arg8 : memref<128x16xf32, #tpu.memory_space<vmem>>)
      %add3A_110 = arith.constant 2 : i32
      %add3A_111 = arith.addi %mul3A_30, %add3A_110 : i32
      %dma_start3A_112 = arith.constant 0 : i32
      %dma_start3A_113 = tpu.memref_slice %arg5[%add3A_111, %dma_start3A_112] : memref<40x128xi32, #tpu.memory_space<vmem>> -> memref<1x128xi32, #tpu.memory_space<vmem>>
      %dma_start3A_114 = tpu.memref_squeeze %dma_start3A_113 : memref<1x128xi32, #tpu.memory_space<vmem>> -> memref<128xi32, #tpu.memory_space<vmem>>
      %dma_start3A_115 = arith.constant 0 : i32
      %dma_start3A_116 = arith.constant 0 : i32
      %dma_start3A_117 = tpu.memref_slice %arg11[%dma_start3A_115, %dma_start3A_116] : memref<10240x16xf32, #tpu.memory_space<vmem_shared>> -> memref<10240x16xf32, #tpu.memory_space<vmem_shared>>
      tpu.enqueue_indirect_dma source(%arg8 : memref<128x16xf32, #tpu.memory_space<vmem>>) target(%dma_start3A_117 : memref<10240x16xf32, #tpu.memory_space<vmem_shared>>) offsets(%dma_start3A_114 : memref<128xi32, #tpu.memory_space<vmem>>) semaphore(%arg13 : memref<!tpu.dma_semaphore, #tpu.memory_space<semaphore_mem>>) {add = true}
      %add3A_118 = arith.constant 3 : i32
      %add3A_119 = arith.addi %mul3A_30, %add3A_118 : i32
      %mul3A_120 = arith.constant 128 : i32
      %mul3A_121 = arith.muli %add3A_119, %mul3A_120 : i32
      %add3A_122 = arith.addi %mul3A_8, %mul3A_121 : i32
      %dma_wait3A_123 = arith.constant 0 : i32
      %dma_wait3A_124 = tpu.memref_slice %arg2[%add3A_122, %dma_wait3A_123] : memref<163840x16xf32, #tpu.memory_space<hbm>> -> memref<128x16xf32, #tpu.memory_space<hbm>>
      %dma_wait3A_125 = arith.constant 0 : i32
      %dma_wait3A_126 = tpu.memref_slice %arg2[%add3A_122, %dma_wait3A_125] : memref<163840x16xf32, #tpu.memory_space<hbm>> -> memref<128x16xf32, #tpu.memory_space<hbm>>
      tpu.wait_dma2 semaphore(%arg12 : memref<!tpu.dma_semaphore, #tpu.memory_space<semaphore_mem>>) src(%dma_wait3A_126 : memref<128x16xf32, #tpu.memory_space<hbm>>) dst(%arg9 : memref<128x16xf32, #tpu.memory_space<vmem>>)
      %add3A_127 = arith.constant 3 : i32
      %add3A_128 = arith.addi %mul3A_30, %add3A_127 : i32
      %dma_start3A_129 = arith.constant 0 : i32
      %dma_start3A_130 = tpu.memref_slice %arg5[%add3A_128, %dma_start3A_129] : memref<40x128xi32, #tpu.memory_space<vmem>> -> memref<1x128xi32, #tpu.memory_space<vmem>>
      %dma_start3A_131 = tpu.memref_squeeze %dma_start3A_130 : memref<1x128xi32, #tpu.memory_space<vmem>> -> memref<128xi32, #tpu.memory_space<vmem>>
      %dma_start3A_132 = arith.constant 0 : i32
      %dma_start3A_133 = arith.constant 0 : i32
      %dma_start3A_134 = tpu.memref_slice %arg11[%dma_start3A_132, %dma_start3A_133] : memref<10240x16xf32, #tpu.memory_space<vmem_shared>> -> memref<10240x16xf32, #tpu.memory_space<vmem_shared>>
      tpu.enqueue_indirect_dma source(%arg9 : memref<128x16xf32, #tpu.memory_space<vmem>>) target(%dma_start3A_134 : memref<10240x16xf32, #tpu.memory_space<vmem_shared>>) offsets(%dma_start3A_131 : memref<128xi32, #tpu.memory_space<vmem>>) semaphore(%arg13 : memref<!tpu.dma_semaphore, #tpu.memory_space<semaphore_mem>>) {add = true}
    }
    %scan3A_13 = arith.constant 10 : i32
    %scan3A_14 = arith.constant 0 : i32
    %scan3A_15 = arith.constant 4 : i32
    %scan3A_16 = arith.addi %scan3A_14, %scan3A_15 : i32
    %scan3A_17 = arith.constant 1 : i32
    scf.for %scan3A_24 = %scan3A_14 to %scan3A_16 step %scan3A_17  : i32 {
      %mul3A_25 = arith.constant 1 : i32
      %mul3A_26 = arith.muli %scan3A_24, %mul3A_25 : i32
      %add3A_27 = arith.constant 0 : i32
      %add3A_28 = arith.addi %add3A_27, %mul3A_26 : i32
      %dma_wait3A = arith.constant 0 : i32
      %dma_wait3A_29 = arith.constant 0 : i32
      %dma_wait3A_30 = tpu.memref_slice %arg2[%dma_wait3A, %dma_wait3A_29] : memref<163840x16xf32, #tpu.memory_space<hbm>> -> memref<128x16xf32, #tpu.memory_space<hbm>>
      %dma_wait3A_31 = arith.constant 0 : i32
      %dma_wait3A_32 = arith.constant 0 : i32
      %dma_wait3A_33 = tpu.memref_slice %arg2[%dma_wait3A_31, %dma_wait3A_32] : memref<163840x16xf32, #tpu.memory_space<hbm>> -> memref<128x16xf32, #tpu.memory_space<hbm>>
      tpu.wait_dma2 semaphore(%arg13 : memref<!tpu.dma_semaphore, #tpu.memory_space<semaphore_mem>>) src(%dma_wait3A_33 : memref<128x16xf32, #tpu.memory_space<hbm>>) dst(%arg6 : memref<128x16xf32, #tpu.memory_space<vmem>>)
    }
    %scan3A_18 = arith.constant 4 : i32
    %barrier3A_19 = arith.constant 0 : index
    tpu.barrier barrier_id(%barrier3A_19)
    %mul3A_20 = arith.constant 640 : i32
    %mul3A_21 = arith.muli %arg1, %mul3A_20 : i32
    "tpu.region"() ({
      %run_scoped3A = tpu.sem_alloc : memref<!tpu.dma_semaphore, #tpu.memory_space<semaphore_mem>>
      %dma_start3A = arith.constant 0 : i32
      %dma_start3A_24 = tpu.memref_slice %arg11[%mul3A_21, %dma_start3A] : memref<10240x16xf32, #tpu.memory_space<vmem_shared>> -> memref<640x16xf32, #tpu.memory_space<vmem_shared>>
      %dma_start3A_25 = arith.constant 0 : i32
      %dma_start3A_26 = tpu.memref_slice %arg11[%mul3A_21, %dma_start3A_25] : memref<10240x16xf32, #tpu.memory_space<vmem_shared>> -> memref<640x16xf32, #tpu.memory_space<vmem_shared>>
      tpu.enqueue_dma source(%dma_start3A_26 : memref<640x16xf32, #tpu.memory_space<vmem_shared>>) target(%arg10 : memref<640x16xf32, #tpu.memory_space<vmem>>) target_semaphore(%run_scoped3A : memref<!tpu.dma_semaphore, #tpu.memory_space<semaphore_mem>>)
      %dma_wait3A = arith.constant 0 : i32
      %dma_wait3A_27 = tpu.memref_slice %arg11[%mul3A_21, %dma_wait3A] : memref<10240x16xf32, #tpu.memory_space<vmem_shared>> -> memref<640x16xf32, #tpu.memory_space<vmem_shared>>
      %dma_wait3A_28 = arith.constant 0 : i32
      %dma_wait3A_29 = tpu.memref_slice %arg11[%mul3A_21, %dma_wait3A_28] : memref<10240x16xf32, #tpu.memory_space<vmem_shared>> -> memref<640x16xf32, #tpu.memory_space<vmem_shared>>
      tpu.wait_dma2 semaphore(%run_scoped3A : memref<!tpu.dma_semaphore, #tpu.memory_space<semaphore_mem>>) src(%dma_wait3A_29 : memref<640x16xf32, #tpu.memory_space<vmem_shared>>) dst(%arg10 : memref<640x16xf32, #tpu.memory_space<vmem>>)
      tpu.yield
    }) : () -> ()
    %mul3A_22 = arith.constant 640 : i32
    %mul3A_23 = arith.muli %arg1, %mul3A_22 : i32
    "tpu.region"() ({
      %run_scoped3A = tpu.sem_alloc : memref<!tpu.dma_semaphore, #tpu.memory_space<semaphore_mem>>
      %dma_start3A = arith.constant 0 : i32
      %dma_start3A_24 = tpu.memref_slice %arg4[%arg0, %mul3A_23, %dma_start3A] : memref<2x10240x16xf32, #tpu.memory_space<hbm>> -> memref<1x640x16xf32, #tpu.memory_space<hbm>>
      %dma_start3A_25 = tpu.memref_squeeze %dma_start3A_24 : memref<1x640x16xf32, #tpu.memory_space<hbm>> -> memref<640x16xf32, #tpu.memory_space<hbm>>
      %dma_start3A_26 = arith.constant 0 : i32
      %dma_start3A_27 = tpu.memref_slice %arg4[%arg0, %mul3A_23, %dma_start3A_26] : memref<2x10240x16xf32, #tpu.memory_space<hbm>> -> memref<1x640x16xf32, #tpu.memory_space<hbm>>
      %dma_start3A_28 = tpu.memref_squeeze %dma_start3A_27 : memref<1x640x16xf32, #tpu.memory_space<hbm>> -> memref<640x16xf32, #tpu.memory_space<hbm>>
      tpu.enqueue_dma source(%arg10 : memref<640x16xf32, #tpu.memory_space<vmem>>) target(%dma_start3A_28 : memref<640x16xf32, #tpu.memory_space<hbm>>) target_semaphore(%run_scoped3A : memref<!tpu.dma_semaphore, #tpu.memory_space<semaphore_mem>>)
      %dma_wait3A = arith.constant 0 : i32
      %dma_wait3A_29 = tpu.memref_slice %arg4[%arg0, %mul3A_23, %dma_wait3A] : memref<2x10240x16xf32, #tpu.memory_space<hbm>> -> memref<1x640x16xf32, #tpu.memory_space<hbm>>
      %dma_wait3A_30 = tpu.memref_squeeze %dma_wait3A_29 : memref<1x640x16xf32, #tpu.memory_space<hbm>> -> memref<640x16xf32, #tpu.memory_space<hbm>>
      %dma_wait3A_31 = arith.constant 0 : i32
      %dma_wait3A_32 = tpu.memref_slice %arg4[%arg0, %mul3A_23, %dma_wait3A_31] : memref<2x10240x16xf32, #tpu.memory_space<hbm>> -> memref<1x640x16xf32, #tpu.memory_space<hbm>>
      %dma_wait3A_33 = tpu.memref_squeeze %dma_wait3A_32 : memref<1x640x16xf32, #tpu.memory_space<hbm>> -> memref<640x16xf32, #tpu.memory_space<hbm>>
      tpu.wait_dma2 semaphore(%run_scoped3A : memref<!tpu.dma_semaphore, #tpu.memory_space<semaphore_mem>>) src(%arg10 : memref<640x16xf32, #tpu.memory_space<vmem>>) dst(%dma_wait3A_33 : memref<640x16xf32, #tpu.memory_space<hbm>>)
      tpu.yield
    }) : () -> ()
    return
  }
}

#map = affine_map<(d0, d1) -> (0, 0)>
#map1 = affine_map<(d0, d1) -> (0, 0, 0)>
module attributes {stable_mosaic.version = 14 : i64} {
  func.func @k(%arg0: i32, %arg1: i32, %arg2: memref<163840x16xf32, #tpu.memory_space<hbm>>, %arg3: memref<32x40x128xi32, #tpu.memory_space<hbm>>, %arg4: memref<2x10240x16xf32, #tpu.memory_space<hbm>>, %arg5: memref<40x128xi32, #tpu.memory_space<vmem>>, %arg6: memref<128x16xf32, #tpu.memory_space<vmem>>, %arg7: memref<128x16xf32, #tpu.memory_space<vmem>>, %arg8: memref<128x16xf32, #tpu.memory_space<vmem>>, %arg9: memref<128x16xf32, #tpu.memory_space<vmem>>, %arg10: memref<640x16xf32, #tpu.memory_space<vmem>>, %arg11: memref<10240x16xf32, #tpu.memory_space<vmem_shared>>, %arg12: memref<!tpu.dma_semaphore, #tpu.memory_space<semaphore_mem>>, %arg13: memref<!tpu.dma_semaphore, #tpu.memory_space<semaphore_mem>>) attributes {dimension_semantics = [#tpu.dimension_semantics<core_parallel>, #tpu.dimension_semantics<subcore_parallel>], iteration_bounds = array<i64: 2, 16>, scalar_prefetch = 0 : i64, scratch_operands = 9 : i64, tpu.core_type = #tpu.core_type<sc_vector_subcore>, window_params = [{transform_indices = #map}, {transform_indices = #map1}, {transform_indices = #map1}]} {
    %mul3A = arith.constant 16 : i32
    %mul3A_0 = arith.muli %arg0, %mul3A : i32
    %add3A = arith.addi %mul3A_0, %arg1 : i32
    "tpu.region"() ({
      %run_scoped3A = tpu.sem_alloc : memref<!tpu.dma_semaphore, #tpu.memory_space<semaphore_mem>>
      %dma_start3A = arith.constant 0 : i32
      %dma_start3A_24 = arith.constant 0 : i32
      %dma_start3A_25 = tpu.memref_slice %arg3[%add3A, %dma_start3A, %dma_start3A_24] : memref<32x40x128xi32, #tpu.memory_space<hbm>> -> memref<1x40x128xi32, #tpu.memory_space<hbm>>
      %dma_start3A_26 = tpu.memref_squeeze %dma_start3A_25 : memref<1x40x128xi32, #tpu.memory_space<hbm>> -> memref<40x128xi32, #tpu.memory_space<hbm>>
      %dma_start3A_27 = arith.constant 0 : i32
      %dma_start3A_28 = arith.constant 0 : i32
      %dma_start3A_29 = tpu.memref_slice %arg3[%add3A, %dma_start3A_27, %dma_start3A_28] : memref<32x40x128xi32, #tpu.memory_space<hbm>> -> memref<1x40x128xi32, #tpu.memory_space<hbm>>
      %dma_start3A_30 = tpu.memref_squeeze %dma_start3A_29 : memref<1x40x128xi32, #tpu.memory_space<hbm>> -> memref<40x128xi32, #tpu.memory_space<hbm>>
      tpu.enqueue_dma source(%dma_start3A_30 : memref<40x128xi32, #tpu.memory_space<hbm>>) target(%arg5 : memref<40x128xi32, #tpu.memory_space<vmem>>) target_semaphore(%run_scoped3A : memref<!tpu.dma_semaphore, #tpu.memory_space<semaphore_mem>>)
      %dma_wait3A = arith.constant 0 : i32
      %dma_wait3A_31 = arith.constant 0 : i32
      %dma_wait3A_32 = tpu.memref_slice %arg3[%add3A, %dma_wait3A, %dma_wait3A_31] : memref<32x40x128xi32, #tpu.memory_space<hbm>> -> memref<1x40x128xi32, #tpu.memory_space<hbm>>
      %dma_wait3A_33 = tpu.memref_squeeze %dma_wait3A_32 : memref<1x40x128xi32, #tpu.memory_space<hbm>> -> memref<40x128xi32, #tpu.memory_space<hbm>>
      %dma_wait3A_34 = arith.constant 0 : i32
      %dma_wait3A_35 = arith.constant 0 : i32
      %dma_wait3A_36 = tpu.memref_slice %arg3[%add3A, %dma_wait3A_34, %dma_wait3A_35] : memref<32x40x128xi32, #tpu.memory_space<hbm>> -> memref<1x40x128xi32, #tpu.memory_space<hbm>>
      %dma_wait3A_37 = tpu.memref_squeeze %dma_wait3A_36 : memref<1x40x128xi32, #tpu.memory_space<hbm>> -> memref<40x128xi32, #tpu.memory_space<hbm>>
      tpu.wait_dma2 semaphore(%run_scoped3A : memref<!tpu.dma_semaphore, #tpu.memory_space<semaphore_mem>>) src(%dma_wait3A_37 : memref<40x128xi32, #tpu.memory_space<hbm>>) dst(%arg5 : memref<40x128xi32, #tpu.memory_space<vmem>>)
      tpu.yield
    }) : () -> ()
    %scan3A = arith.constant 0 : i32
    %scan3A_1 = arith.constant 640 : i32
    %scan3A_2 = arith.addi %scan3A, %scan3A_1 : i32
    %scan3A_3 = arith.constant 1 : i32
    scf.for %scan3A_24 = %scan3A to %scan3A_2 step %scan3A_3  : i32 {
      %mul3A_25 = arith.constant 1 : i32
      %mul3A_26 = arith.muli %scan3A_24, %mul3A_25 : i32
      %add3A_27 = arith.constant 0 : i32
      %add3A_28 = arith.addi %add3A_27, %mul3A_26 : i32
      %broadcast_in_dim3A = arith.constant 0.000000e+00 : f32
      %broadcast_in_dim3A_29 = vector.broadcast %broadcast_in_dim3A : f32 to vector<16xf32>
      %swap3A = arith.index_cast %add3A_28 : i32 to index
      %swap3A_30 = arith.constant 0 : index
      %swap3A_31 = tpu.vector_load %arg10[%swap3A, %swap3A_30] {strides = array<i32>} : memref<640x16xf32, #tpu.memory_space<vmem>>, vector<1x16xf32>,
      %swap3A_32 = vector.shape_cast %swap3A_31 : vector<1x16xf32> to vector<16xf32>
      %swap3A_33 = vector.shape_cast %broadcast_in_dim3A_29 : vector<16xf32> to vector<1x16xf32>
      tpu.vector_store %arg10[%swap3A, %swap3A_30], %swap3A_33 {strides = array<i32>} : memref<640x16xf32, #tpu.memory_space<vmem>>, vector<1x16xf32>,
    }
    %scan3A_4 = arith.constant 640 : i32
    %mul3A_5 = arith.constant 640 : i32
    %mul3A_6 = arith.muli %arg1, %mul3A_5 : i32
    "tpu.region"() ({
      %run_scoped3A = tpu.sem_alloc : memref<!tpu.dma_semaphore, #tpu.memory_space<semaphore_mem>>
      %dma_start3A = arith.constant 0 : i32
      %dma_start3A_24 = tpu.memref_slice %arg11[%mul3A_6, %dma_start3A] : memref<10240x16xf32, #tpu.memory_space<vmem_shared>> -> memref<640x16xf32, #tpu.memory_space<vmem_shared>>
      %dma_start3A_25 = arith.constant 0 : i32
      %dma_start3A_26 = tpu.memref_slice %arg11[%mul3A_6, %dma_start3A_25] : memref<10240x16xf32, #tpu.memory_space<vmem_shared>> -> memref<640x16xf32, #tpu.memory_space<vmem_shared>>
      tpu.enqueue_dma source(%arg10 : memref<640x16xf32, #tpu.memory_space<vmem>>) target(%dma_start3A_26 : memref<640x16xf32, #tpu.memory_space<vmem_shared>>) target_semaphore(%run_scoped3A : memref<!tpu.dma_semaphore, #tpu.memory_space<semaphore_mem>>)
      %dma_wait3A = arith.constant 0 : i32
      %dma_wait3A_27 = tpu.memref_slice %arg11[%mul3A_6, %dma_wait3A] : memref<10240x16xf32, #tpu.memory_space<vmem_shared>> -> memref<640x16xf32, #tpu.memory_space<vmem_shared>>
      %dma_wait3A_28 = arith.constant 0 : i32
      %dma_wait3A_29 = tpu.memref_slice %arg11[%mul3A_6, %dma_wait3A_28] : memref<10240x16xf32, #tpu.memory_space<vmem_shared>> -> memref<640x16xf32, #tpu.memory_space<vmem_shared>>
      tpu.wait_dma2 semaphore(%run_scoped3A : memref<!tpu.dma_semaphore, #tpu.memory_space<semaphore_mem>>) src(%arg10 : memref<640x16xf32, #tpu.memory_space<vmem>>) dst(%dma_wait3A_29 : memref<640x16xf32, #tpu.memory_space<vmem_shared>>)
      tpu.yield
    }) : () -> ()
    %barrier3A = arith.constant 0 : index
    tpu.barrier barrier_id(%barrier3A)
    %mul3A_7 = arith.constant 5120 : i32
    %mul3A_8 = arith.muli %add3A, %mul3A_7 : i32
    %scan3A_9 = arith.constant 0 : i32
    %scan3A_10 = arith.constant 10 : i32
    %scan3A_11 = arith.addi %scan3A_9, %scan3A_10 : i32
    %scan3A_12 = arith.constant 1 : i32
    scf.for %scan3A_24 = %scan3A_9 to %scan3A_11 step %scan3A_12  : i32 {
      %mul3A_25 = arith.constant 1 : i32
      %mul3A_26 = arith.muli %scan3A_24, %mul3A_25 : i32
      %add3A_27 = arith.constant 0 : i32
      %add3A_28 = arith.addi %add3A_27, %mul3A_26 : i32
      %mul3A_29 = arith.constant 4 : i32
      %mul3A_30 = arith.muli %mul3A_29, %add3A_28 : i32
      %gt3A = arith.constant 0 : i32
      %gt3A_31 = arith.cmpi sgt, %add3A_28, %gt3A : i32
      %convert_element_type3A = arith.extui %gt3A_31 : i1 to i32
      %cond3A = arith.constant 0 : i32
      %cond3A_32 = arith.cmpi ne, %convert_element_type3A, %cond3A : i32
      scf.if %cond3A_32 {
        %dma_wait3A_135 = arith.constant 0 : i32
        %dma_wait3A_136 = arith.constant 0 : i32
        %dma_wait3A_137 = tpu.memref_slice %arg2[%dma_wait3A_135, %dma_wait3A_136] : memref<163840x16xf32, #tpu.memory_space<hbm>> -> memref<128x16xf32, #tpu.memory_space<hbm>>
        %dma_wait3A_138 = arith.constant 0 : i32
        %dma_wait3A_139 = arith.constant 0 : i32
        %dma_wait3A_140 = tpu.memref_slice %arg2[%dma_wait3A_138, %dma_wait3A_139] : memref<163840x16xf32, #tpu.memory_space<hbm>> -> memref<128x16xf32, #tpu.memory_space<hbm>>
        tpu.wait_dma2 semaphore(%arg13 : memref<!tpu.dma_semaphore, #tpu.memory_space<semaphore_mem>>) src(%dma_wait3A_140 : memref<128x16xf32, #tpu.memory_space<hbm>>) dst(%arg6 : memref<128x16xf32, #tpu.memory_space<vmem>>)
        %dma_wait3A_141 = arith.constant 0 : i32
        %dma_wait3A_142 = arith.constant 0 : i32
        %dma_wait3A_143 = tpu.memref_slice %arg2[%dma_wait3A_141, %dma_wait3A_142] : memref<163840x16xf32, #tpu.memory_space<hbm>> -> memref<128x16xf32, #tpu.memory_space<hbm>>
        %dma_wait3A_144 = arith.constant 0 : i32
        %dma_wait3A_145 = arith.constant 0 : i32
        %dma_wait3A_146 = tpu.memref_slice %arg2[%dma_wait3A_144, %dma_wait3A_145] : memref<163840x16xf32, #tpu.memory_space<hbm>> -> memref<128x16xf32, #tpu.memory_space<hbm>>
        tpu.wait_dma2 semaphore(%arg13 : memref<!tpu.dma_semaphore, #tpu.memory_space<semaphore_mem>>) src(%dma_wait3A_146 : memref<128x16xf32, #tpu.memory_space<hbm>>) dst(%arg7 : memref<128x16xf32, #tpu.memory_space<vmem>>)
        %dma_wait3A_147 = arith.constant 0 : i32
        %dma_wait3A_148 = arith.constant 0 : i32
        %dma_wait3A_149 = tpu.memref_slice %arg2[%dma_wait3A_147, %dma_wait3A_148] : memref<163840x16xf32, #tpu.memory_space<hbm>> -> memref<128x16xf32, #tpu.memory_space<hbm>>
        %dma_wait3A_150 = arith.constant 0 : i32
        %dma_wait3A_151 = arith.constant 0 : i32
        %dma_wait3A_152 = tpu.memref_slice %arg2[%dma_wait3A_150, %dma_wait3A_151] : memref<163840x16xf32, #tpu.memory_space<hbm>> -> memref<128x16xf32, #tpu.memory_space<hbm>>
        tpu.wait_dma2 semaphore(%arg13 : memref<!tpu.dma_semaphore, #tpu.memory_space<semaphore_mem>>) src(%dma_wait3A_152 : memref<128x16xf32, #tpu.memory_space<hbm>>) dst(%arg8 : memref<128x16xf32, #tpu.memory_space<vmem>>)
        %dma_wait3A_153 = arith.constant 0 : i32
        %dma_wait3A_154 = arith.constant 0 : i32
        %dma_wait3A_155 = tpu.memref_slice %arg2[%dma_wait3A_153, %dma_wait3A_154] : memref<163840x16xf32, #tpu.memory_space<hbm>> -> memref<128x16xf32, #tpu.memory_space<hbm>>
        %dma_wait3A_156 = arith.constant 0 : i32
        %dma_wait3A_157 = arith.constant 0 : i32
        %dma_wait3A_158 = tpu.memref_slice %arg2[%dma_wait3A_156, %dma_wait3A_157] : memref<163840x16xf32, #tpu.memory_space<hbm>> -> memref<128x16xf32, #tpu.memory_space<hbm>>
        tpu.wait_dma2 semaphore(%arg13 : memref<!tpu.dma_semaphore, #tpu.memory_space<semaphore_mem>>) src(%dma_wait3A_158 : memref<128x16xf32, #tpu.memory_space<hbm>>) dst(%arg9 : memref<128x16xf32, #tpu.memory_space<vmem>>)
      } else {
      }
      %add3A_33 = arith.constant 0 : i32
      %add3A_34 = arith.addi %mul3A_30, %add3A_33 : i32
      %mul3A_35 = arith.constant 128 : i32
      %mul3A_36 = arith.muli %add3A_34, %mul3A_35 : i32
      %add3A_37 = arith.addi %mul3A_8, %mul3A_36 : i32
      %dma_start3A = arith.constant 0 : i32
      %dma_start3A_38 = tpu.memref_slice %arg2[%add3A_37, %dma_start3A] : memref<163840x16xf32, #tpu.memory_space<hbm>> -> memref<128x16xf32, #tpu.memory_space<hbm>>
      %dma_start3A_39 = arith.constant 0 : i32
      %dma_start3A_40 = tpu.memref_slice %arg2[%add3A_37, %dma_start3A_39] : memref<163840x16xf32, #tpu.memory_space<hbm>> -> memref<128x16xf32, #tpu.memory_space<hbm>>
      tpu.enqueue_dma source(%dma_start3A_40 : memref<128x16xf32, #tpu.memory_space<hbm>>) target(%arg6 : memref<128x16xf32, #tpu.memory_space<vmem>>) target_semaphore(%arg12 : memref<!tpu.dma_semaphore, #tpu.memory_space<semaphore_mem>>)
      %add3A_41 = arith.constant 1 : i32
      %add3A_42 = arith.addi %mul3A_30, %add3A_41 : i32
      %mul3A_43 = arith.constant 128 : i32
      %mul3A_44 = arith.muli %add3A_42, %mul3A_43 : i32
      %add3A_45 = arith.addi %mul3A_8, %mul3A_44 : i32
      %dma_start3A_46 = arith.constant 0 : i32
      %dma_start3A_47 = tpu.memref_slice %arg2[%add3A_45, %dma_start3A_46] : memref<163840x16xf32, #tpu.memory_space<hbm>> -> memref<128x16xf32, #tpu.memory_space<hbm>>
      %dma_start3A_48 = arith.constant 0 : i32
      %dma_start3A_49 = tpu.memref_slice %arg2[%add3A_45, %dma_start3A_48] : memref<163840x16xf32, #tpu.memory_space<hbm>> -> memref<128x16xf32, #tpu.memory_space<hbm>>
      tpu.enqueue_dma source(%dma_start3A_49 : memref<128x16xf32, #tpu.memory_space<hbm>>) target(%arg7 : memref<128x16xf32, #tpu.memory_space<vmem>>) target_semaphore(%arg12 : memref<!tpu.dma_semaphore, #tpu.memory_space<semaphore_mem>>)
      %add3A_50 = arith.constant 2 : i32
      %add3A_51 = arith.addi %mul3A_30, %add3A_50 : i32
      %mul3A_52 = arith.constant 128 : i32
      %mul3A_53 = arith.muli %add3A_51, %mul3A_52 : i32
      %add3A_54 = arith.addi %mul3A_8, %mul3A_53 : i32
      %dma_start3A_55 = arith.constant 0 : i32
      %dma_start3A_56 = tpu.memref_slice %arg2[%add3A_54, %dma_start3A_55] : memref<163840x16xf32, #tpu.memory_space<hbm>> -> memref<128x16xf32, #tpu.memory_space<hbm>>
      %dma_start3A_57 = arith.constant 0 : i32
      %dma_start3A_58 = tpu.memref_slice %arg2[%add3A_54, %dma_start3A_57] : memref<163840x16xf32, #tpu.memory_space<hbm>> -> memref<128x16xf32, #tpu.memory_space<hbm>>
      tpu.enqueue_dma source(%dma_start3A_58 : memref<128x16xf32, #tpu.memory_space<hbm>>) target(%arg8 : memref<128x16xf32, #tpu.memory_space<vmem>>) target_semaphore(%arg12 : memref<!tpu.dma_semaphore, #tpu.memory_space<semaphore_mem>>)
      %add3A_59 = arith.constant 3 : i32
      %add3A_60 = arith.addi %mul3A_30, %add3A_59 : i32
      %mul3A_61 = arith.constant 128 : i32
      %mul3A_62 = arith.muli %add3A_60, %mul3A_61 : i32
      %add3A_63 = arith.addi %mul3A_8, %mul3A_62 : i32
      %dma_start3A_64 = arith.constant 0 : i32
      %dma_start3A_65 = tpu.memref_slice %arg2[%add3A_63, %dma_start3A_64] : memref<163840x16xf32, #tpu.memory_space<hbm>> -> memref<128x16xf32, #tpu.memory_space<hbm>>
      %dma_start3A_66 = arith.constant 0 : i32
      %dma_start3A_67 = tpu.memref_slice %arg2[%add3A_63, %dma_start3A_66] : memref<163840x16xf32, #tpu.memory_space<hbm>> -> memref<128x16xf32, #tpu.memory_space<hbm>>
      tpu.enqueue_dma source(%dma_start3A_67 : memref<128x16xf32, #tpu.memory_space<hbm>>) target(%arg9 : memref<128x16xf32, #tpu.memory_space<vmem>>) target_semaphore(%arg12 : memref<!tpu.dma_semaphore, #tpu.memory_space<semaphore_mem>>)
      %add3A_68 = arith.constant 0 : i32
      %add3A_69 = arith.addi %mul3A_30, %add3A_68 : i32
      %mul3A_70 = arith.constant 128 : i32
      %mul3A_71 = arith.muli %add3A_69, %mul3A_70 : i32
      %add3A_72 = arith.addi %mul3A_8, %mul3A_71 : i32
      %dma_wait3A = arith.constant 0 : i32
      %dma_wait3A_73 = tpu.memref_slice %arg2[%add3A_72, %dma_wait3A] : memref<163840x16xf32, #tpu.memory_space<hbm>> -> memref<128x16xf32, #tpu.memory_space<hbm>>
      %dma_wait3A_74 = arith.constant 0 : i32
      %dma_wait3A_75 = tpu.memref_slice %arg2[%add3A_72, %dma_wait3A_74] : memref<163840x16xf32, #tpu.memory_space<hbm>> -> memref<128x16xf32, #tpu.memory_space<hbm>>
      tpu.wait_dma2 semaphore(%arg12 : memref<!tpu.dma_semaphore, #tpu.memory_space<semaphore_mem>>) src(%dma_wait3A_75 : memref<128x16xf32, #tpu.memory_space<hbm>>) dst(%arg6 : memref<128x16xf32, #tpu.memory_space<vmem>>)
      %add3A_76 = arith.constant 0 : i32
      %add3A_77 = arith.addi %mul3A_30, %add3A_76 : i32
      %dma_start3A_78 = arith.constant 0 : i32
      %dma_start3A_79 = tpu.memref_slice %arg5[%add3A_77, %dma_start3A_78] : memref<40x128xi32, #tpu.memory_space<vmem>> -> memref<1x128xi32, #tpu.memory_space<vmem>>
      %dma_start3A_80 = tpu.memref_squeeze %dma_start3A_79 : memref<1x128xi32, #tpu.memory_space<vmem>> -> memref<128xi32, #tpu.memory_space<vmem>>
      %dma_start3A_81 = arith.constant 0 : i32
      %dma_start3A_82 = arith.constant 0 : i32
      %dma_start3A_83 = tpu.memref_slice %arg11[%dma_start3A_81, %dma_start3A_82] : memref<10240x16xf32, #tpu.memory_space<vmem_shared>> -> memref<10240x16xf32, #tpu.memory_space<vmem_shared>>
      tpu.enqueue_indirect_dma source(%arg6 : memref<128x16xf32, #tpu.memory_space<vmem>>) target(%dma_start3A_83 : memref<10240x16xf32, #tpu.memory_space<vmem_shared>>) offsets(%dma_start3A_80 : memref<128xi32, #tpu.memory_space<vmem>>) semaphore(%arg13 : memref<!tpu.dma_semaphore, #tpu.memory_space<semaphore_mem>>) {add = true}
      %add3A_84 = arith.constant 1 : i32
      %add3A_85 = arith.addi %mul3A_30, %add3A_84 : i32
      %mul3A_86 = arith.constant 128 : i32
      %mul3A_87 = arith.muli %add3A_85, %mul3A_86 : i32
      %add3A_88 = arith.addi %mul3A_8, %mul3A_87 : i32
      %dma_wait3A_89 = arith.constant 0 : i32
      %dma_wait3A_90 = tpu.memref_slice %arg2[%add3A_88, %dma_wait3A_89] : memref<163840x16xf32, #tpu.memory_space<hbm>> -> memref<128x16xf32, #tpu.memory_space<hbm>>
      %dma_wait3A_91 = arith.constant 0 : i32
      %dma_wait3A_92 = tpu.memref_slice %arg2[%add3A_88, %dma_wait3A_91] : memref<163840x16xf32, #tpu.memory_space<hbm>> -> memref<128x16xf32, #tpu.memory_space<hbm>>
      tpu.wait_dma2 semaphore(%arg12 : memref<!tpu.dma_semaphore, #tpu.memory_space<semaphore_mem>>) src(%dma_wait3A_92 : memref<128x16xf32, #tpu.memory_space<hbm>>) dst(%arg7 : memref<128x16xf32, #tpu.memory_space<vmem>>)
      %add3A_93 = arith.constant 1 : i32
      %add3A_94 = arith.addi %mul3A_30, %add3A_93 : i32
      %dma_start3A_95 = arith.constant 0 : i32
      %dma_start3A_96 = tpu.memref_slice %arg5[%add3A_94, %dma_start3A_95] : memref<40x128xi32, #tpu.memory_space<vmem>> -> memref<1x128xi32, #tpu.memory_space<vmem>>
      %dma_start3A_97 = tpu.memref_squeeze %dma_start3A_96 : memref<1x128xi32, #tpu.memory_space<vmem>> -> memref<128xi32, #tpu.memory_space<vmem>>
      %dma_start3A_98 = arith.constant 0 : i32
      %dma_start3A_99 = arith.constant 0 : i32
      %dma_start3A_100 = tpu.memref_slice %arg11[%dma_start3A_98, %dma_start3A_99] : memref<10240x16xf32, #tpu.memory_space<vmem_shared>> -> memref<10240x16xf32, #tpu.memory_space<vmem_shared>>
      tpu.enqueue_indirect_dma source(%arg7 : memref<128x16xf32, #tpu.memory_space<vmem>>) target(%dma_start3A_100 : memref<10240x16xf32, #tpu.memory_space<vmem_shared>>) offsets(%dma_start3A_97 : memref<128xi32, #tpu.memory_space<vmem>>) semaphore(%arg13 : memref<!tpu.dma_semaphore, #tpu.memory_space<semaphore_mem>>) {add = true}
      %add3A_101 = arith.constant 2 : i32
      %add3A_102 = arith.addi %mul3A_30, %add3A_101 : i32
      %mul3A_103 = arith.constant 128 : i32
      %mul3A_104 = arith.muli %add3A_102, %mul3A_103 : i32
      %add3A_105 = arith.addi %mul3A_8, %mul3A_104 : i32
      %dma_wait3A_106 = arith.constant 0 : i32
      %dma_wait3A_107 = tpu.memref_slice %arg2[%add3A_105, %dma_wait3A_106] : memref<163840x16xf32, #tpu.memory_space<hbm>> -> memref<128x16xf32, #tpu.memory_space<hbm>>
      %dma_wait3A_108 = arith.constant 0 : i32
      %dma_wait3A_109 = tpu.memref_slice %arg2[%add3A_105, %dma_wait3A_108] : memref<163840x16xf32, #tpu.memory_space<hbm>> -> memref<128x16xf32, #tpu.memory_space<hbm>>
      tpu.wait_dma2 semaphore(%arg12 : memref<!tpu.dma_semaphore, #tpu.memory_space<semaphore_mem>>) src(%dma_wait3A_109 : memref<128x16xf32, #tpu.memory_space<hbm>>) dst(%arg8 : memref<128x16xf32, #tpu.memory_space<vmem>>)
      %add3A_110 = arith.constant 2 : i32
      %add3A_111 = arith.addi %mul3A_30, %add3A_110 : i32
      %dma_start3A_112 = arith.constant 0 : i32
      %dma_start3A_113 = tpu.memref_slice %arg5[%add3A_111, %dma_start3A_112] : memref<40x128xi32, #tpu.memory_space<vmem>> -> memref<1x128xi32, #tpu.memory_space<vmem>>
      %dma_start3A_114 = tpu.memref_squeeze %dma_start3A_113 : memref<1x128xi32, #tpu.memory_space<vmem>> -> memref<128xi32, #tpu.memory_space<vmem>>
      %dma_start3A_115 = arith.constant 0 : i32
      %dma_start3A_116 = arith.constant 0 : i32
      %dma_start3A_117 = tpu.memref_slice %arg11[%dma_start3A_115, %dma_start3A_116] : memref<10240x16xf32, #tpu.memory_space<vmem_shared>> -> memref<10240x16xf32, #tpu.memory_space<vmem_shared>>
      tpu.enqueue_indirect_dma source(%arg8 : memref<128x16xf32, #tpu.memory_space<vmem>>) target(%dma_start3A_117 : memref<10240x16xf32, #tpu.memory_space<vmem_shared>>) offsets(%dma_start3A_114 : memref<128xi32, #tpu.memory_space<vmem>>) semaphore(%arg13 : memref<!tpu.dma_semaphore, #tpu.memory_space<semaphore_mem>>) {add = true}
      %add3A_118 = arith.constant 3 : i32
      %add3A_119 = arith.addi %mul3A_30, %add3A_118 : i32
      %mul3A_120 = arith.constant 128 : i32
      %mul3A_121 = arith.muli %add3A_119, %mul3A_120 : i32
      %add3A_122 = arith.addi %mul3A_8, %mul3A_121 : i32
      %dma_wait3A_123 = arith.constant 0 : i32
      %dma_wait3A_124 = tpu.memref_slice %arg2[%add3A_122, %dma_wait3A_123] : memref<163840x16xf32, #tpu.memory_space<hbm>> -> memref<128x16xf32, #tpu.memory_space<hbm>>
      %dma_wait3A_125 = arith.constant 0 : i32
      %dma_wait3A_126 = tpu.memref_slice %arg2[%add3A_122, %dma_wait3A_125] : memref<163840x16xf32, #tpu.memory_space<hbm>> -> memref<128x16xf32, #tpu.memory_space<hbm>>
      tpu.wait_dma2 semaphore(%arg12 : memref<!tpu.dma_semaphore, #tpu.memory_space<semaphore_mem>>) src(%dma_wait3A_126 : memref<128x16xf32, #tpu.memory_space<hbm>>) dst(%arg9 : memref<128x16xf32, #tpu.memory_space<vmem>>)
      %add3A_127 = arith.constant 3 : i32
      %add3A_128 = arith.addi %mul3A_30, %add3A_127 : i32
      %dma_start3A_129 = arith.constant 0 : i32
      %dma_start3A_130 = tpu.memref_slice %arg5[%add3A_128, %dma_start3A_129] : memref<40x128xi32, #tpu.memory_space<vmem>> -> memref<1x128xi32, #tpu.memory_space<vmem>>
      %dma_start3A_131 = tpu.memref_squeeze %dma_start3A_130 : memref<1x128xi32, #tpu.memory_space<vmem>> -> memref<128xi32, #tpu.memory_space<vmem>>
      %dma_start3A_132 = arith.constant 0 : i32
      %dma_start3A_133 = arith.constant 0 : i32
      %dma_start3A_134 = tpu.memref_slice %arg11[%dma_start3A_132, %dma_start3A_133] : memref<10240x16xf32, #tpu.memory_space<vmem_shared>> -> memref<10240x16xf32, #tpu.memory_space<vmem_shared>>
      tpu.enqueue_indirect_dma source(%arg9 : memref<128x16xf32, #tpu.memory_space<vmem>>) target(%dma_start3A_134 : memref<10240x16xf32, #tpu.memory_space<vmem_shared>>) offsets(%dma_start3A_131 : memref<128xi32, #tpu.memory_space<vmem>>) semaphore(%arg13 : memref<!tpu.dma_semaphore, #tpu.memory_space<semaphore_mem>>) {add = true}
    }
    %scan3A_13 = arith.constant 10 : i32
    %scan3A_14 = arith.constant 0 : i32
    %scan3A_15 = arith.constant 4 : i32
    %scan3A_16 = arith.addi %scan3A_14, %scan3A_15 : i32
    %scan3A_17 = arith.constant 1 : i32
    scf.for %scan3A_24 = %scan3A_14 to %scan3A_16 step %scan3A_17  : i32 {
      %mul3A_25 = arith.constant 1 : i32
      %mul3A_26 = arith.muli %scan3A_24, %mul3A_25 : i32
      %add3A_27 = arith.constant 0 : i32
      %add3A_28 = arith.addi %add3A_27, %mul3A_26 : i32
      %dma_wait3A = arith.constant 0 : i32
      %dma_wait3A_29 = arith.constant 0 : i32
      %dma_wait3A_30 = tpu.memref_slice %arg2[%dma_wait3A, %dma_wait3A_29] : memref<163840x16xf32, #tpu.memory_space<hbm>> -> memref<128x16xf32, #tpu.memory_space<hbm>>
      %dma_wait3A_31 = arith.constant 0 : i32
      %dma_wait3A_32 = arith.constant 0 : i32
      %dma_wait3A_33 = tpu.memref_slice %arg2[%dma_wait3A_31, %dma_wait3A_32] : memref<163840x16xf32, #tpu.memory_space<hbm>> -> memref<128x16xf32, #tpu.memory_space<hbm>>
      tpu.wait_dma2 semaphore(%arg13 : memref<!tpu.dma_semaphore, #tpu.memory_space<semaphore_mem>>) src(%dma_wait3A_33 : memref<128x16xf32, #tpu.memory_space<hbm>>) dst(%arg6 : memref<128x16xf32, #tpu.memory_space<vmem>>)
    }
    %scan3A_18 = arith.constant 4 : i32
    %barrier3A_19 = arith.constant 0 : index
    tpu.barrier barrier_id(%barrier3A_19)
    %mul3A_20 = arith.constant 640 : i32
    %mul3A_21 = arith.muli %arg1, %mul3A_20 : i32
    "tpu.region"() ({
      %run_scoped3A = tpu.sem_alloc : memref<!tpu.dma_semaphore, #tpu.memory_space<semaphore_mem>>
      %dma_start3A = arith.constant 0 : i32
      %dma_start3A_24 = tpu.memref_slice %arg11[%mul3A_21, %dma_start3A] : memref<10240x16xf32, #tpu.memory_space<vmem_shared>> -> memref<640x16xf32, #tpu.memory_space<vmem_shared>>
      %dma_start3A_25 = arith.constant 0 : i32
      %dma_start3A_26 = tpu.memref_slice %arg11[%mul3A_21, %dma_start3A_25] : memref<10240x16xf32, #tpu.memory_space<vmem_shared>> -> memref<640x16xf32, #tpu.memory_space<vmem_shared>>
      tpu.enqueue_dma source(%dma_start3A_26 : memref<640x16xf32, #tpu.memory_space<vmem_shared>>) target(%arg10 : memref<640x16xf32, #tpu.memory_space<vmem>>) target_semaphore(%run_scoped3A : memref<!tpu.dma_semaphore, #tpu.memory_space<semaphore_mem>>)
      %dma_wait3A = arith.constant 0 : i32
      %dma_wait3A_27 = tpu.memref_slice %arg11[%mul3A_21, %dma_wait3A] : memref<10240x16xf32, #tpu.memory_space<vmem_shared>> -> memref<640x16xf32, #tpu.memory_space<vmem_shared>>
      %dma_wait3A_28 = arith.constant 0 : i32
      %dma_wait3A_29 = tpu.memref_slice %arg11[%mul3A_21, %dma_wait3A_28] : memref<10240x16xf32, #tpu.memory_space<vmem_shared>> -> memref<640x16xf32, #tpu.memory_space<vmem_shared>>
      tpu.wait_dma2 semaphore(%run_scoped3A : memref<!tpu.dma_semaphore, #tpu.memory_space<semaphore_mem>>) src(%dma_wait3A_29 : memref<640x16xf32, #tpu.memory_space<vmem_shared>>) dst(%arg10 : memref<640x16xf32, #tpu.memory_space<vmem>>)
      tpu.yield
    }) : () -> ()
    %mul3A_22 = arith.constant 640 : i32
    %mul3A_23 = arith.muli %arg1, %mul3A_22 : i32
    "tpu.region"() ({
      %run_scoped3A = tpu.sem_alloc : memref<!tpu.dma_semaphore, #tpu.memory_space<semaphore_mem>>
      %dma_start3A = arith.constant 0 : i32
      %dma_start3A_24 = tpu.memref_slice %arg4[%arg0, %mul3A_23, %dma_start3A] : memref<2x10240x16xf32, #tpu.memory_space<hbm>> -> memref<1x640x16xf32, #tpu.memory_space<hbm>>
      %dma_start3A_25 = tpu.memref_squeeze %dma_start3A_24 : memref<1x640x16xf32, #tpu.memory_space<hbm>> -> memref<640x16xf32, #tpu.memory_space<hbm>>
      %dma_start3A_26 = arith.constant 0 : i32
      %dma_start3A_27 = tpu.memref_slice %arg4[%arg0, %mul3A_23, %dma_start3A_26] : memref<2x10240x16xf32, #tpu.memory_space<hbm>> -> memref<1x640x16xf32, #tpu.memory_space<hbm>>
      %dma_start3A_28 = tpu.memref_squeeze %dma_start3A_27 : memref<1x640x16xf32, #tpu.memory_space<hbm>> -> memref<640x16xf32, #tpu.memory_space<hbm>>
      tpu.enqueue_dma source(%arg10 : memref<640x16xf32, #tpu.memory_space<vmem>>) target(%dma_start3A_28 : memref<640x16xf32, #tpu.memory_space<hbm>>) target_semaphore(%run_scoped3A : memref<!tpu.dma_semaphore, #tpu.memory_space<semaphore_mem>>)
      %dma_wait3A = arith.constant 0 : i32
      %dma_wait3A_29 = tpu.memref_slice %arg4[%arg0, %mul3A_23, %dma_wait3A] : memref<2x10240x16xf32, #tpu.memory_space<hbm>> -> memref<1x640x16xf32, #tpu.memory_space<hbm>>
      %dma_wait3A_30 = tpu.memref_squeeze %dma_wait3A_29 : memref<1x640x16xf32, #tpu.memory_space<hbm>> -> memref<640x16xf32, #tpu.memory_space<hbm>>
      %dma_wait3A_31 = arith.constant 0 : i32
      %dma_wait3A_32 = tpu.memref_slice %arg4[%arg0, %mul3A_23, %dma_wait3A_31] : memref<2x10240x16xf32, #tpu.memory_space<hbm>> -> memref<1x640x16xf32, #tpu.memory_space<hbm>>
      %dma_wait3A_33 = tpu.memref_squeeze %dma_wait3A_32 : memref<1x640x16xf32, #tpu.memory_space<hbm>> -> memref<640x16xf32, #tpu.memory_space<hbm>>
      tpu.wait_dma2 semaphore(%run_scoped3A : memref<!tpu.dma_semaphore, #tpu.memory_space<semaphore_mem>>) src(%arg10 : memref<640x16xf32, #tpu.memory_space<vmem>>) dst(%dma_wait3A_33 : memref<640x16xf32, #tpu.memory_space<hbm>>)
      tpu.yield
    }) : () -> ()
    return
  }
}

module attributes {stable_mosaic.version = 14 : i64} {
  func.func @_dense_body(%arg0: i32, %arg1: memref<8192x4xbf16, #tpu.memory_space<vmem>>, %arg2: memref<4x25xbf16, #tpu.memory_space<vmem>>, %arg3: memref<1x25xf32, #tpu.memory_space<vmem>>, %arg4: memref<25x256xbf16, #tpu.memory_space<vmem>>, %arg5: memref<1x256xf32, #tpu.memory_space<vmem>>, %arg6: memref<8192x16xf32, #tpu.memory_space<vmem>>, %arg7: memref<16x256xbf16, #tpu.memory_space<vmem>>, %arg8: memref<8192x16xf32, #tpu.memory_space<vmem>>) attributes {dimension_semantics = [#tpu.dimension_semantics<arbitrary>], iteration_bounds = array<i64: 20>, scalar_prefetch = 0 : i64, scratch_operands = 0 : i64, tpu.core_type = #tpu.core_type<tc>, window_params = [{transform_indices = @transform_0, window_bounds = array<i64: 8192, 4>}, {pipeline_mode = #tpu.pipeline_mode<synchronous>, transform_indices = @transform_1, window_bounds = array<i64: 4, 25>}, {pipeline_mode = #tpu.pipeline_mode<synchronous>, transform_indices = @transform_2, window_bounds = array<i64: 1, 25>}, {pipeline_mode = #tpu.pipeline_mode<synchronous>, transform_indices = @transform_3, window_bounds = array<i64: 25, 256>}, {pipeline_mode = #tpu.pipeline_mode<synchronous>, transform_indices = @transform_4, window_bounds = array<i64: 1, 256>}, {transform_indices = @transform_5, window_bounds = array<i64: 8192, 16>}, {pipeline_mode = #tpu.pipeline_mode<synchronous>, transform_indices = @transform_6, window_bounds = array<i64: 16, 256>}, {transform_indices = @transform_7, window_bounds = array<i64: 8192, 16>}]} {
    %get3A = arith.constant 0 : index
    %get3A_0 = arith.constant 0 : index
    %get3A_1 = vector.load %arg1[%get3A, %get3A_0] : memref<8192x4xbf16, #tpu.memory_space<vmem>>, vector<8192x4xbf16>
    %get3A_2 = arith.constant 0 : index
    %get3A_3 = arith.constant 0 : index
    %get3A_4 = vector.load %arg2[%get3A_2, %get3A_3] : memref<4x25xbf16, #tpu.memory_space<vmem>>, vector<4x25xbf16>
    %dot_general3A = arith.constant dense<0.000000e+00> : vector<8192x25xf32>
    %dot_general3A_5 = tpu.matmul %get3A_1, %get3A_4, %dot_general3A {dimension_numbers = #tpu.dot_dimension_numbers<[1], [0], [0], [1], [0, 0, 1, 1], [], []>, transpose_lhs_hint = false} : vector<8192x4xbf16>, vector<4x25xbf16>, vector<8192x25xf32> -> vector<8192x25xf32>
    %get3A_6 = arith.constant 0 : index
    %get3A_7 = arith.constant 0 : index
    %get3A_8 = vector.load %arg3[%get3A_6, %get3A_7] : memref<1x25xf32, #tpu.memory_space<vmem>>, vector<1x25xf32>
    %add3A = vector.broadcast %get3A_8 : vector<1x25xf32> to vector<8192x25xf32>
    %add3A_9 = arith.addf %dot_general3A_5, %add3A : vector<8192x25xf32>
    %max3A = arith.constant 0.000000e+00 : f32
    %max3A_10 = vector.broadcast %max3A : f32 to vector<8192x25xf32>
    %max3A_11 = arith.maximumf %add3A_9, %max3A_10 : vector<8192x25xf32>
    %convert_element_type3A = arith.truncf %max3A_11 : vector<8192x25xf32> to vector<8192x25xbf16>
    %get3A_12 = arith.constant 0 : index
    %get3A_13 = arith.constant 0 : index
    %get3A_14 = vector.load %arg4[%get3A_12, %get3A_13] : memref<25x256xbf16, #tpu.memory_space<vmem>>, vector<25x256xbf16>
    %dot_general3A_15 = arith.constant dense<0.000000e+00> : vector<8192x256xf32>
    %dot_general3A_16 = tpu.matmul %convert_element_type3A, %get3A_14, %dot_general3A_15 {dimension_numbers = #tpu.dot_dimension_numbers<[1], [0], [0], [1], [0, 0, 1, 1], [], []>, transpose_lhs_hint = false} : vector<8192x25xbf16>, vector<25x256xbf16>, vector<8192x256xf32> -> vector<8192x256xf32>
    %get3A_17 = arith.constant 0 : index
    %get3A_18 = arith.constant 0 : index
    %get3A_19 = vector.load %arg5[%get3A_17, %get3A_18] : memref<1x256xf32, #tpu.memory_space<vmem>>, vector<1x256xf32>
    %add3A_20 = vector.broadcast %get3A_19 : vector<1x256xf32> to vector<8192x256xf32>
    %add3A_21 = arith.addf %dot_general3A_16, %add3A_20 : vector<8192x256xf32>
    %get3A_22 = arith.constant 0 : index
    %get3A_23 = arith.constant 0 : index
    %get3A_24 = vector.load %arg6[%get3A_22, %get3A_23] : memref<8192x16xf32, #tpu.memory_space<vmem>>, vector<8192x16xf32>
    %convert_element_type3A_25 = arith.truncf %get3A_24 : vector<8192x16xf32> to vector<8192x16xbf16>
    %get3A_26 = arith.constant 0 : index
    %get3A_27 = arith.constant 0 : index
    %get3A_28 = vector.load %arg7[%get3A_26, %get3A_27] : memref<16x256xbf16, #tpu.memory_space<vmem>>, vector<16x256xbf16>
    %dot_general3A_29 = arith.constant dense<0.000000e+00> : vector<8192x256xf32>
    %dot_general3A_30 = tpu.matmul %convert_element_type3A_25, %get3A_28, %dot_general3A_29 {dimension_numbers = #tpu.dot_dimension_numbers<[1], [0], [0], [1], [0, 0, 1, 1], [], []>, transpose_lhs_hint = false} : vector<8192x16xbf16>, vector<16x256xbf16>, vector<8192x256xf32> -> vector<8192x256xf32>
    %mul3A = arith.mulf %dot_general3A_30, %add3A_21 : vector<8192x256xf32>
    %slice3A = vector.extract_strided_slice %mul3A {offsets = [0, 0], sizes = [8192, 128], strides = [1, 1]} : vector<8192x256xf32> to vector<8192x128xf32>
    %slice3A_31 = vector.extract_strided_slice %mul3A {offsets = [0, 128], sizes = [8192, 128], strides = [1, 1]} : vector<8192x256xf32> to vector<8192x128xf32>
    %add3A_32 = arith.addf %slice3A, %slice3A_31 : vector<8192x128xf32>
    %slice3A_33 = vector.extract_strided_slice %add3A_32 {offsets = [0, 0], sizes = [8192, 64], strides = [1, 1]} : vector<8192x128xf32> to vector<8192x64xf32>
    %slice3A_34 = vector.extract_strided_slice %add3A_32 {offsets = [0, 64], sizes = [8192, 64], strides = [1, 1]} : vector<8192x128xf32> to vector<8192x64xf32>
    %add3A_35 = arith.addf %slice3A_33, %slice3A_34 : vector<8192x64xf32>
    %slice3A_36 = vector.extract_strided_slice %add3A_35 {offsets = [0, 0], sizes = [8192, 32], strides = [1, 1]} : vector<8192x64xf32> to vector<8192x32xf32>
    %slice3A_37 = vector.extract_strided_slice %add3A_35 {offsets = [0, 32], sizes = [8192, 32], strides = [1, 1]} : vector<8192x64xf32> to vector<8192x32xf32>
    %add3A_38 = arith.addf %slice3A_36, %slice3A_37 : vector<8192x32xf32>
    %slice3A_39 = vector.extract_strided_slice %add3A_38 {offsets = [0, 0], sizes = [8192, 16], strides = [1, 1]} : vector<8192x32xf32> to vector<8192x16xf32>
    %slice3A_40 = vector.extract_strided_slice %add3A_38 {offsets = [0, 16], sizes = [8192, 16], strides = [1, 1]} : vector<8192x32xf32> to vector<8192x16xf32>
    %add3A_41 = arith.addf %slice3A_39, %slice3A_40 : vector<8192x16xf32>
    %swap3A = arith.constant 0 : index
    %swap3A_42 = arith.constant 0 : index
    %swap3A_43 = vector.load %arg8[%swap3A, %swap3A_42] : memref<8192x16xf32, #tpu.memory_space<vmem>>, vector<8192x16xf32>
    tpu.vector_store %arg8[%swap3A, %swap3A_42], %add3A_41 {strides = array<i32>} : memref<8192x16xf32, #tpu.memory_space<vmem>>, vector<8192x16xf32>,
    return
  }
  func.func @transform_0(%arg0: i32) -> (i32, i32) {
    %c0_i32 = arith.constant 0 : i32
    %c0_i32_0 = arith.constant 0 : i32
    return %arg0, %c0_i32 : i32, i32
  }
  func.func @transform_1(%arg0: i32) -> (i32, i32) {
    %c0_i32 = arith.constant 0 : i32
    %c0_i32_0 = arith.constant 0 : i32
    %c0_i32_1 = arith.constant 0 : i32
    return %c0_i32, %c0_i32_0 : i32, i32
  }
  func.func @transform_2(%arg0: i32) -> (i32, i32) {
    %c0_i32 = arith.constant 0 : i32
    %c0_i32_0 = arith.constant 0 : i32
    %c0_i32_1 = arith.constant 0 : i32
    return %c0_i32, %c0_i32_0 : i32, i32
  }
  func.func @transform_3(%arg0: i32) -> (i32, i32) {
    %c0_i32 = arith.constant 0 : i32
    %c0_i32_0 = arith.constant 0 : i32
    %c0_i32_1 = arith.constant 0 : i32
    return %c0_i32, %c0_i32_0 : i32, i32
  }
  func.func @transform_4(%arg0: i32) -> (i32, i32) {
    %c0_i32 = arith.constant 0 : i32
    %c0_i32_0 = arith.constant 0 : i32
    %c0_i32_1 = arith.constant 0 : i32
    return %c0_i32, %c0_i32_0 : i32, i32
  }
  func.func @transform_5(%arg0: i32) -> (i32, i32) {
    %c0_i32 = arith.constant 0 : i32
    %c0_i32_0 = arith.constant 0 : i32
    return %arg0, %c0_i32 : i32, i32
  }
  func.func @transform_6(%arg0: i32) -> (i32, i32) {
    %c0_i32 = arith.constant 0 : i32
    %c0_i32_0 = arith.constant 0 : i32
    %c0_i32_1 = arith.constant 0 : i32
    return %c0_i32, %c0_i32_0 : i32, i32
  }
  func.func @transform_7(%arg0: i32) -> (i32, i32) {
    %c0_i32 = arith.constant 0 : i32
    %c0_i32_0 = arith.constant 0 : i32
    return %arg0, %c0_i32 : i32, i32
  }
}

module attributes {stable_mosaic.version = 14 : i64} {
  func.func @_combine_body(%arg0: memref<10240x16xf32, #tpu.memory_space<vmem>>, %arg1: memref<10240x16xf32, #tpu.memory_space<vmem>>, %arg2: memref<10240x1xf32, #tpu.memory_space<vmem>>, %arg3: memref<10240x1xf32, #tpu.memory_space<vmem>>, %arg4: memref<10240x16xf32, #tpu.memory_space<vmem>>, %arg5: memref<16x16xf32, #tpu.memory_space<vmem>>, %arg6: memref<1x16xf32, #tpu.memory_space<vmem>>, %arg7: memref<10240x16xf32, #tpu.memory_space<vmem>>) attributes {dimension_semantics = [], scalar_prefetch = 0 : i64, scratch_operands = 0 : i64, tpu.core_type = #tpu.core_type<tc>} {
    %get3A = arith.constant 0 : index
    %get3A_0 = arith.constant 0 : index
    %get3A_1 = vector.load %arg2[%get3A, %get3A_0] : memref<10240x1xf32, #tpu.memory_space<vmem>>, vector<10240x1xf32>
    %get3A_2 = arith.constant 0 : index
    %get3A_3 = arith.constant 0 : index
    %get3A_4 = vector.load %arg3[%get3A_2, %get3A_3] : memref<10240x1xf32, #tpu.memory_space<vmem>>, vector<10240x1xf32>
    %add3A = arith.addf %get3A_1, %get3A_4 : vector<10240x1xf32>
    %max3A = arith.constant 1.000000e+00 : f32
    %max3A_5 = vector.broadcast %max3A : f32 to vector<10240x1xf32>
    %max3A_6 = arith.maximumf %add3A, %max3A_5 : vector<10240x1xf32>
    %get3A_7 = arith.constant 0 : index
    %get3A_8 = arith.constant 0 : index
    %get3A_9 = vector.load %arg0[%get3A_7, %get3A_8] : memref<10240x16xf32, #tpu.memory_space<vmem>>, vector<10240x16xf32>
    %get3A_10 = arith.constant 0 : index
    %get3A_11 = arith.constant 0 : index
    %get3A_12 = vector.load %arg1[%get3A_10, %get3A_11] : memref<10240x16xf32, #tpu.memory_space<vmem>>, vector<10240x16xf32>
    %add3A_13 = arith.addf %get3A_9, %get3A_12 : vector<10240x16xf32>
    %div3A = vector.broadcast %max3A_6 : vector<10240x1xf32> to vector<10240x16xf32>
    %div3A_14 = arith.divf %add3A_13, %div3A : vector<10240x16xf32>
    %get3A_15 = arith.constant 0 : index
    %get3A_16 = arith.constant 0 : index
    %get3A_17 = vector.load %arg4[%get3A_15, %get3A_16] : memref<10240x16xf32, #tpu.memory_space<vmem>>, vector<10240x16xf32>
    %get3A_18 = arith.constant 0 : index
    %get3A_19 = arith.constant 0 : index
    %get3A_20 = vector.load %arg5[%get3A_18, %get3A_19] : memref<16x16xf32, #tpu.memory_space<vmem>>, vector<16x16xf32>
    %dot_general3A = arith.constant dense<0.000000e+00> : vector<10240x16xf32>
    %dot_general3A_21 = tpu.matmul %get3A_17, %get3A_20, %dot_general3A {dimension_numbers = #tpu.dot_dimension_numbers<[1], [0], [0], [1], [0, 0, 1, 1], [], []>, transpose_lhs_hint = false} : vector<10240x16xf32>, vector<16x16xf32>, vector<10240x16xf32> -> vector<10240x16xf32>
    %add3A_22 = arith.addf %div3A_14, %dot_general3A_21 : vector<10240x16xf32>
    %get3A_23 = arith.constant 0 : index
    %get3A_24 = arith.constant 0 : index
    %get3A_25 = vector.load %arg6[%get3A_23, %get3A_24] : memref<1x16xf32, #tpu.memory_space<vmem>>, vector<1x16xf32>
    %add3A_26 = vector.broadcast %get3A_25 : vector<1x16xf32> to vector<10240x16xf32>
    %add3A_27 = arith.addf %add3A_22, %add3A_26 : vector<10240x16xf32>
    %max3A_28 = arith.constant 0.000000e+00 : f32
    %max3A_29 = vector.broadcast %max3A_28 : f32 to vector<10240x16xf32>
    %max3A_30 = arith.maximumf %add3A_27, %max3A_29 : vector<10240x16xf32>
    %swap3A = arith.constant 0 : index
    %swap3A_31 = arith.constant 0 : index
    %swap3A_32 = vector.load %arg7[%swap3A, %swap3A_31] : memref<10240x16xf32, #tpu.memory_space<vmem>>, vector<10240x16xf32>
    tpu.vector_store %arg7[%swap3A, %swap3A_31], %max3A_30 {strides = array<i32>} : memref<10240x16xf32, #tpu.memory_space<vmem>>, vector<10240x16xf32>,
    return
  }
}

module attributes {stable_mosaic.version = 14 : i64} {
  func.func @_combine_body(%arg0: memref<10240x16xf32, #tpu.memory_space<vmem>>, %arg1: memref<10240x16xf32, #tpu.memory_space<vmem>>, %arg2: memref<10240x1xf32, #tpu.memory_space<vmem>>, %arg3: memref<10240x1xf32, #tpu.memory_space<vmem>>, %arg4: memref<10240x16xf32, #tpu.memory_space<vmem>>, %arg5: memref<16x16xf32, #tpu.memory_space<vmem>>, %arg6: memref<1x16xf32, #tpu.memory_space<vmem>>, %arg7: memref<10240x16xf32, #tpu.memory_space<vmem>>) attributes {dimension_semantics = [], scalar_prefetch = 0 : i64, scratch_operands = 0 : i64, tpu.core_type = #tpu.core_type<tc>} {
    %get3A = arith.constant 0 : index
    %get3A_0 = arith.constant 0 : index
    %get3A_1 = vector.load %arg2[%get3A, %get3A_0] : memref<10240x1xf32, #tpu.memory_space<vmem>>, vector<10240x1xf32>
    %get3A_2 = arith.constant 0 : index
    %get3A_3 = arith.constant 0 : index
    %get3A_4 = vector.load %arg3[%get3A_2, %get3A_3] : memref<10240x1xf32, #tpu.memory_space<vmem>>, vector<10240x1xf32>
    %add3A = arith.addf %get3A_1, %get3A_4 : vector<10240x1xf32>
    %max3A = arith.constant 1.000000e+00 : f32
    %max3A_5 = vector.broadcast %max3A : f32 to vector<10240x1xf32>
    %max3A_6 = arith.maximumf %add3A, %max3A_5 : vector<10240x1xf32>
    %get3A_7 = arith.constant 0 : index
    %get3A_8 = arith.constant 0 : index
    %get3A_9 = vector.load %arg0[%get3A_7, %get3A_8] : memref<10240x16xf32, #tpu.memory_space<vmem>>, vector<10240x16xf32>
    %get3A_10 = arith.constant 0 : index
    %get3A_11 = arith.constant 0 : index
    %get3A_12 = vector.load %arg1[%get3A_10, %get3A_11] : memref<10240x16xf32, #tpu.memory_space<vmem>>, vector<10240x16xf32>
    %add3A_13 = arith.addf %get3A_9, %get3A_12 : vector<10240x16xf32>
    %div3A = vector.broadcast %max3A_6 : vector<10240x1xf32> to vector<10240x16xf32>
    %div3A_14 = arith.divf %add3A_13, %div3A : vector<10240x16xf32>
    %get3A_15 = arith.constant 0 : index
    %get3A_16 = arith.constant 0 : index
    %get3A_17 = vector.load %arg4[%get3A_15, %get3A_16] : memref<10240x16xf32, #tpu.memory_space<vmem>>, vector<10240x16xf32>
    %get3A_18 = arith.constant 0 : index
    %get3A_19 = arith.constant 0 : index
    %get3A_20 = vector.load %arg5[%get3A_18, %get3A_19] : memref<16x16xf32, #tpu.memory_space<vmem>>, vector<16x16xf32>
    %dot_general3A = arith.constant dense<0.000000e+00> : vector<10240x16xf32>
    %dot_general3A_21 = tpu.matmul %get3A_17, %get3A_20, %dot_general3A {dimension_numbers = #tpu.dot_dimension_numbers<[1], [0], [0], [1], [0, 0, 1, 1], [], []>, transpose_lhs_hint = false} : vector<10240x16xf32>, vector<16x16xf32>, vector<10240x16xf32> -> vector<10240x16xf32>
    %add3A_22 = arith.addf %div3A_14, %dot_general3A_21 : vector<10240x16xf32>
    %get3A_23 = arith.constant 0 : index
    %get3A_24 = arith.constant 0 : index
    %get3A_25 = vector.load %arg6[%get3A_23, %get3A_24] : memref<1x16xf32, #tpu.memory_space<vmem>>, vector<1x16xf32>
    %add3A_26 = vector.broadcast %get3A_25 : vector<1x16xf32> to vector<10240x16xf32>
    %add3A_27 = arith.addf %add3A_22, %add3A_26 : vector<10240x16xf32>
    %swap3A = arith.constant 0 : index
    %swap3A_28 = arith.constant 0 : index
    %swap3A_29 = vector.load %arg7[%swap3A, %swap3A_28] : memref<10240x16xf32, #tpu.memory_space<vmem>>, vector<10240x16xf32>
    tpu.vector_store %arg7[%swap3A, %swap3A_28], %add3A_27 {strides = array<i32>} : memref<10240x16xf32, #tpu.memory_space<vmem>>, vector<10240x16xf32>,
    return
  }
}

</mosaic_0001>

<sc_bundles>
// kernel: kernel.10.cloned.1.call-start
scs
__scs_entry_jumppad:
0x0: {  	(pc) =	sbr.rel $0x88, $3  }
0x1: {  	(tag) =	ssettag $0x0;
	lr =	simm.s32 $0x1  }
0x2: {  	[smem:$0x3F92] =	sst lr;
	_ =	strace $0xD0000000  }
0x3: {  	_ = 	snop  }
0x4: {  	_ = 	snop  }
0x5: {  	_ = 	snop  }
0x6: {  	_ = 	snop  }
0x7: {  	_ = 	snop  }
__scs_overlays_trampoline_lowered:
0x8: {  	[smem:$0x3FA1] =	sst s0  }
0x9: {  	[smem:$0x3FA2] =	sst s1  }
0xa: {  	[smem:$0x3FA3] =	sst s2  }
0xb: {  	[smem:$0x3FA4] =	sst s3  }
0xc: {  	[smem:$0x3FA5] =	sst s4  }
0xd: {  	[smem:$0x3FA6] =	sst s5  }
0xe: {  	[smem:$0x3FA7] =	sst s6  }
0xf: {  	[smem:$0x3FA8] =	sst s7  }
0x10: {  	[smem:$0x3FA9] =	sst s8  }
0x11: {  	[smem:$0x3FAA] =	sst s9;
	s0 =	simm.s32 @!p0 $0x0  }
0x12: {  	s1 =	sld [smem:$0x3F90];
	s0 =	simm.s32 @p0 $0x1  }
0x13: {  	[smem:$0x3FAB] =	sst s0;
	s0 =	simm.s32 @!p1 $0x0  }
0x14: {  	s2 =	sld [smem:$0x3F8F];
	s0 =	simm.s32 @p1 $0x1  }
0x15: {  	[smem:$0x3FAC] =	sst s0;
	s0 =	simm.s32 @!p2 $0x0  }
0x16: {  	s3 =	sld [smem:$0x3FDB];
	s0 =	simm.s32 @p2 $0x1  }
0x17: {  	s4 =	simm.s32 $0x1BF5;
	[smem:$0x3FAE] =	sst s0  }
0x18: {  	s0 =	sld [smem:$0x3F91];
	_ =	swait.ge [sflag:s4], $0x0  }
0x19: {  	s7 =	sld [smem:$0x3F92]  }
0x1a: {  	s8 =	sadd.s32 $0xFFFFE003, lr  }
0x1b: {  	s9 =	sadd.s32 $0xFFFFFEF7, lr;
	s5 =	simm.s32 $0xFFFFFFFF;
	p2 =	slt.u32 s8, $0xFFFFF086  }
0x1c: {  	p1 =	slt.u32 s9, $0xF7A;
	s5 =	simm.s32 @!p2 $0x0  }
0x1d: {  	s5 =	simm.s32 @p1 $0x1;
	p0 =	seq.s32 s7, s2  }
0x1e: {  	s7 =	smul.u32 @!p0 $0xF7A, s2;
	p2 =	seq.s32 @!p0 s5, $0x0  }
0x1f: {  	s9 =	smul.u32 $0xF7A, s1;
	s8 =	simm.s32 @!p0 $0x1BF5;
	p2 =	por !p2, p0  }
0x20: {  	[sflag:s8] =	ssyncset.s32 @!p0 $0xFFFFF086;
	s6 =	sadd.s32 @!p0 s3, s7;
	s7 =	simm.s32 @!p0 $0x108  }
0x21: {  	s3 =	sadd.s32 s3, s9;
	s6 =	sadd.s32 @!p0 $0x88, s6;
	s7 =	simm.s32 @p2 $0x1082  }
0x22: {  	[simem:s7], [sflag:s8] =	dma.local @!p0 [hbm:s6], $0xF7A  }
0x23: {  	s9 =	sor.u32 $0xD0000000, s2;
	s6 =	simm.s32 $0x108;
	_ =	swait.ge @!p0 [sflag:s8], $0x0  }
0x24: {  	s3 =	sadd.s32 $0x88, s3;
	s6 =	simm.s32 @!p1 $0x1082;
	[sflag:s4] =	ssyncset.s32 $0xFFFFF086  }
0x25: {  	[simem:s6], [sflag:s4] =	dma.local [hbm:s3], $0xF7A  }
0x26: {  	[smem:$0x3F92] =	sst s1;
	(tag) =	ssettag s2;
	_ =	strace s9  }
0x27: {  	s1 =	sld [smem:$0x3FA2]  }
0x28: {  	s2 =	sld [smem:$0x3FA3]  }
0x29: {  	s4 =	sld [smem:$0x3FA5]  }
0x2a: {  	p0 =	seq.s32 s5, $0x0;
	s5 =	sld [smem:$0x3FA6]  }
0x2b: {  	s6 =	sld [smem:$0x3FA7]  }
0x2c: {  	s7 =	sld [smem:$0x3FA8]  }
0x2d: {  	s3 =	simm.s32 $0x108;
	s8 =	sld [smem:$0x3FA9]  }
0x2e: {  	s3 =	simm.s32 @!p0 $0x1082;
	s9 =	sld [smem:$0x3FAA]  }
0x2f: {  	lr =	sadd.s32 s0, s3;
	s0 =	sld [smem:$0x3FA1]  }
0x30: {  	s3 =	sld [smem:$0x3FA4]  }
0x31: {  	[smem:$0x3FAD] =	sst s10  }
0x32: {  	s10 =	sld [smem:$0x3FAB];
	_ =	sdelay $0x3  }
0x33: {  	p0 =	seq.s32 s10, $0x1;
	s10 =	sld [smem:$0x3FAD];
	_ =	sdelay $0x3  }
0x34: {  	[smem:$0x3FAD] =	sst s10  }
0x35: {  	s10 =	sld [smem:$0x3FAC];
	_ =	sdelay $0x3  }
0x36: {  	p1 =	seq.s32 s10, $0x1;
	s10 =	sld [smem:$0x3FAD];
	_ =	sdelay $0x3  }
0x37: {  	[smem:$0x3FAD] =	sst s10  }
0x38: {  	s10 =	sld [smem:$0x3FAE]  }
0x39: {  	_ = 	snop;
	(pc) =	sbr.ind lr, $3  }
0x3a: {  	_ = 	snop  }
0x3b: {  	_ = 	snop  }
0x3c: {  	p2 =	seq.s32 s10, $0x1;
	s10 =	sld [smem:$0x3FAD]  }
0x3d: {  	_ =	shalt  }
0x3e: {  	_ =	shalt  }
0x3f: {  	_ =	shalt  }
0x40: {  	_ =	shalt  }
0x41: {  	_ =	shalt  }
0x42: {  	_ =	shalt  }
0x43: {  	_ =	shalt  }
0x44: {  	_ =	shalt  }
0x45: {  	_ =	shalt  }
0x46: {  	_ =	shalt  }
0x47: {  	_ =	shalt  }
0x48: {  	_ =	shalt  }
0x49: {  	_ =	shalt  }
0x4a: {  	_ =	shalt  }
0x4b: {  	_ =	shalt  }
0x4c: {  	_ =	shalt  }
0x4d: {  	_ =	shalt  }
0x4e: {  	_ =	shalt  }
0x4f: {  	_ =	shalt  }
0x50: {  	_ =	shalt  }
0x51: {  	_ =	shalt  }
0x52: {  	_ =	shalt  }
0x53: {  	_ =	shalt  }
0x54: {  	_ =	shalt  }
0x55: {  	_ =	shalt  }
0x56: {  	_ =	shalt  }
0x57: {  	_ =	shalt  }
0x58: {  	_ =	shalt  }
0x59: {  	_ =	shalt  }
0x5a: {  	_ =	shalt  }
0x5b: {  	_ =	shalt  }
0x5c: {  	_ =	shalt  }
0x5d: {  	_ =	shalt  }
0x5e: {  	_ =	shalt  }
0x5f: {  	_ =	shalt  }
0x60: {  	_ =	shalt  }
0x61: {  	_ =	shalt  }
0x62: {  	_ =	shalt  }
0x63: {  	_ =	shalt  }
0x64: {  	_ =	shalt  }
0x65: {  	_ =	shalt  }
0x66: {  	_ =	shalt  }
0x67: {  	_ =	shalt  }
0x68: {  	_ =	shalt  }
0x69: {  	_ =	shalt  }
0x6a: {  	_ =	shalt  }
0x6b: {  	_ =	shalt  }
0x6c: {  	_ =	shalt  }
0x6d: {  	_ =	shalt  }
0x6e: {  	_ =	shalt  }
0x6f: {  	_ =	shalt  }
0x70: {  	_ =	shalt  }
0x71: {  	_ =	shalt  }
0x72: {  	_ =	shalt  }
0x73: {  	_ =	shalt  }
0x74: {  	_ =	shalt  }
0x75: {  	_ =	shalt  }
0x76: {  	_ =	shalt  }
0x77: {  	_ =	shalt  }
0x78: {  	_ =	shalt  }
0x79: {  	_ =	shalt  }
0x7a: {  	_ =	shalt  }
0x7b: {  	_ =	shalt  }
0x7c: {  	_ =	shalt  }
0x7d: {  	_ =	shalt  }
0x7e: {  	_ =	shalt  }
0x7f: {  	_ =	shalt  }
0x80: {  	_ =	shalt  }
0x81: {  	_ =	shalt  }
0x82: {  	_ =	shalt  }
0x83: {  	_ =	shalt  }
0x84: {  	_ =	shalt  }
0x85: {  	_ =	shalt  }
0x86: {  	_ =	shalt  }
0x87: {  	_ =	shalt  }
.Lfunc_end0:
.L_simem_size_0:
called_computation_lowered:
.L_overlay_start_0:
0x88: {  	s2 =	sld [smem:$0x3FD9]  }
0x89: {  	s3 =	sld [smem:$0x3FFE];
	_ =	sdelay $0x1  }
0x8a: {  	s1 =	srdreg.scid  }
0x8b: {  	s0 =	sand.u32 $0x1, s1  }
0x8c: {  	s17 =	sshll.u32 s0, $0xA;
	s2 =	sadd.s32 s3, s2  }
0x8d: {  	s2 =	sadd.s32 s2, s17  }
0x8e: {  	[smem:$0x3FB9] =	sst s2  }
0x8f: {  	_ = 	snop  }
0x90: {  	s2 =	sld [smem:$0x3FD0];
	(tm) =	ssettm $0x1  }
0x91: {  	s18 =	sld [smem:$0x3FFB];
	_ =	sdelay $0x3  }
0x92: {  	_ =	strace s18  }
0x93: {  	s3 =	sld [smem:$0x3FFC];
	_ =	sdelay $0x3  }
0x94: {  	_ =	strace s3  }
0x95: {  	s3 =	sld [smem:$0x3FFD];
	_ =	sdelay $0x3  }
0x96: {  	_ =	strace s3  }
0x97: {  	_ =	strace $0x8FFFFFFF  }
0x98: {  	s19 =	sld [smem:$0x3FDB];
	_ =	sdelay $0x1  }
0x99: {  	s4 =	simm.s32 $_scs_section_size  }
0x9a: {  	s5 =	simm.s32 $_size__tile_overlayer_lowered;
	s6 =	simm.s32 $_tile_overlayer_lowered  }
0x9b: {  	s22 =	simm.s32 $0x1BFF;
	s21 =	sshll.u32 s6, $0x1;
	s3 =	sadd.s32 s4, s19  }
0x9c: {  	s7 =	simm.s32 $0x0;
	s20 =	sshll.u32 s5, $0x1;
	s5 =	sadd.s32 s21, s3  }
0x9d: {  	[timem:s7], [sflag:s22] =	dma.local [hbm:s5], s20  }
0x9e: {  	_ =	swait.ge [sflag:s22], s20  }
0x9f: {  	s4 =	ssub.s32 $0x0, s20;
	[sflag:s22] =	ssyncset.done $0x0  }
0xa0: {  	[sflag:s22] =	ssyncadd.s32 s4;
	_ =	sdelay $0x1  }
0xa1: {  	s23 =	simm.s32 $0x1B8B  }
0xa2: {  	_ =	swait.ge [sflag:s23], $0x1  }
0xa3: {  	[sflag:s23] =	ssyncset.done $0x0  }
0xa4: {  	s25 =	simm.s32 $0x1B8E;
	s24 =	sld [smem:$0x3FFE];
	[sflag:s23] =	ssyncadd.s32 $0xFFFFFFFF  }
0xa5: {  	s26 =	simm.s32 $execute0_lowered;
	[smem:$0x3FD2] =	sst s25  }
0xa6: {  	s5 =	sshll.u32 s26, $0x1;
	_ =	strace $0x80000046;
	[dreg:$0x1] =	wrdreg $0xFFFFFFFF  }
0xa7: {  	s28 =	simm.s32 $_size_execute0_lowered;
	s3 =	sadd.s32 s3, s5;
	[dreg:$0x0] =	wrdreg $0x0  }
0xa8: {  	s5 =	sshll.u32 s28, $0x1;
	[dreg:$0x2] =	wrdreg s3  }
0xa9: {  	[dreg:$0x3] =	wrdreg s5  }
0xaa: {  	[dreg:$0x4] =	wrdreg $0xC0  }
0xab: {  	_ =	task [dreg:s7], $0x5FFFF  }
0xac: {  	[dreg:$0x1] =	wrdreg $0xFFFFFFFF  }
0xad: {  	[dreg:$0x0] =	wrdreg $0x60  }
0xae: {  	[dreg:$0x2] =	wrdreg s24  }
0xaf: {  	[dreg:$0x3] =	wrdreg s2  }
0xb0: {  	[dreg:$0x4] =	wrdreg $0x16B000  }
0xb1: {  	[dreg:$0x5] =	wrdreg $0x9  }
0xb2: {  	_ =	task.clear_ibuf [dreg:s7], $0x6FFFF;
	_ =	strace $0x90000046  }
0xb3: {  	s29 =	simm.s32 $0x9;
	_ =	strace $0x80000048  }
0xb4: {  	_ =	swait.ge [sflag:s29], $0x1  }
0xb5: {  	[sflag:s29] =	ssyncadd.s32 $0xFFFFFFFF  }
0xb6: {  	_ =	strace $0x90000048  }
0xb7: {  	_ =	sfence  }
0xb8: {  	s30 =	sld [smem:$0x0];
	_ =	sdelay $0x2  }
0xb9: {  	s31 =	sshll.u32 s1, $0xD;
	s1 =	sshrl.u32 s1, $0x2  }
0xba: {  	s3 =	sand.u32 $0x4000, s31;
	s1 =	sadd.s32 s1, s30  }
0xbb: {  	s0 =	sor.u32 s3, s0;
	s1 =	sshll.u32 s1, $0x11  }
0xbc: {  	s0 =	sor.u32 s1, s0  }
0xbd: {  	s0 =	sadd.s32 $0x8F2B, s0  }
0xbe: {  	[sflag:s0] =	ssyncadd.remote.s32 $0x1  }
0xbf: {  	_ =	sfence.sel $0xFFFF  }
0xc0: {  	[dreg:$0x0] =	wrdreg $0xFFFFFFFF;
	(pc) =	sbr.abs _section_cstart, $3  }
0xc1: {  	[dreg:$0x1] =	wrdreg $0xFFFFFFFF  }
0xc2: {  	_ =	task.clear_ibuf [dreg:s7], $0x2FFFF;
	_ =	strace $0x9FFFFFFF  }
0xc3: {  	(tm) =	ssettm $0x7FFFFFFF  }
tec
execute0_lowered:
.L_overlay_start_1:
0x0: {  	(tag) =	ssettag $0x1  }
0x1: {  	s1 =	rddreg [dreg:$0x0]  }
0x2: {  	s0 =	srdreg.scid;
	s8 =	rddreg [dreg:$0x1]  }
0x3: {  	s7 =	stileid.u32;
	s2 =	rddreg [dreg:$0x2]  }
0x4: {  	s12 =	simm.s32 $0x1400;
	s13 =	simm.s32 $0x80;
	s14 =	simm.s32 $0x16880  }
0x5: {  	s15 =	simm.s32 $0x16800;
	s30 =	simm.s32 $0x2380;
	s31 =	simm.s32 $0x2400  }
0x6: {  	s16 =	simm.s32 $0x2580;
	s17 =	simm.s32 $0x2600;
	s18 =	simm.s32 $0x2680  }
0x7: {  	s19 =	simm.s32 $0x2700;
	s20 =	simm.s32 $0x2780;
	s21 =	simm.s32 $0x2  }
0x8: {  	s22 =	simm.s32 $0x1;
	s23 =	simm.s32 $0x2800;
	s0 =	sand.u32 $0x1, s0  }
0x9: {  	s3 =	sshll.u32 s0, $0x4;
	s9 =	ssub.s32 $0x2, s0;
	s0 =	smul.u32 $0x2800, s0  }
0xa: {  	s24 =	simm.s32 $0x0;
	s4 =	sor.u32 s7, s3;
	s7 =	smul.u32 $0x280, s7  }
0xb: {  	s3 =	simm.s32 $0x0;
	s29 =	sshrl.u32 s9, $0x1;
	s5 =	smul.u32 $0x280, s4  }
0xc: {  	[smem:$0x7FF] =	sst s3;
	s6 =	smul.u32 $0x2800, s4;
	s4 =	sadd.s32 $0x2AC00, s1  }
0xd: {  	s11 =	ssub.s32 s9, s29;
	_ =	strace $0x80000047;
	s0 =	sadd.s32 s7, s0  }
0xe: {  	s7 =	sadd.s32 s7, s2;
	s10 =	sadd.s32 s5, s1;
	s1 =	sadd.s32 s6, s1  }
0xf: {  	s0 =	sshrl.u32 s0, $0x3;
	s5 =	sadd.s32 $0x34C00, s10;
	s6 =	sadd.s32 $0x2FC00, s10  }
0x10: {  	s8 =	sadd.s32 s8, s0;
	s9 =	sadd.s32 $0x39C00, s1;
	s10 =	smax.u32 s11, $0x1  }
0x11: {  	v0 =	vimm.f32 $1.000000000e+00;
	v1 =	vimm.f32 $0.0e+00;
	s11 =	simm.s32 $0x3;
	s1 =	simm.s32 $0x2480;
	s0 =	simm.s32 $0x2500  }
.LBB2_1:
0x12: {  	[tilespmem:s3], [sflag:$0x3] =	stream.linear.gather [hbm4b:s5+s3], $0x1400, $0x38;
	[tilespmem:$0x16D80] =	vst v63  }
0x13: {  	_ =	swait.ge [sflag:s11], $0x1400  }
0x14: {  	[sflag:s11] =	ssyncset.done $0x0  }
0x15: {  	[sflag:s11] =	ssyncadd.s32 $0xFFFFEC00  }
0x16: {  	[tilespmem:s12], [sflag:$0x3] =	stream.linear.gather [hbm4b:s6+s3], $0x1400, $0x38;
	[tilespmem:$0x16D80] =	vst v63  }
0x17: {  	_ =	swait.ge [sflag:s11], $0x1400  }
0x18: {  	s25 =	simm.s32 $0x200;
	s29 =	simm.s32 $0x0;
	[sflag:s11] =	ssyncset.done $0x0  }
0x19: {  	s26 =	simm.s32 $0x3000;
	s28 =	simm.s32 $0x2800;
	[sflag:s11] =	ssyncadd.s32 $0xFFFFEC00  }
.LBB2_2:
0x1a: {  	[tilespmem:s28], [sflag:$0x1] =	stream.indirect.gather [hbm4b:s4+s13], $0x10, s29, s13, $0xb8;
	[tilespmem:$0x16D80] =	vst v63  }
0x1b: {  	s29 =	smov.u32 s25;
	s28 =	smov.u32 s26;
	p0 =	sne.s32 s25, $0x4E00  }
.Ltmp0:
0x1c: {  	s25 =	sadd.s32 $0x200, s25;
	(pc) =	sbr.rel @p0 .LBB2_2-.Ltmp0, $2  }
0x1d: {  	_ =	sdelay $0x2  }
0x1e: {  	s26 =	sadd.s32 $0x800, s26;
	s29 =	sshra.s32 s29, $0x2  }
0x1f: {  	[tilespmem:s28], [sflag:$0x1] =	stream.indirect.gather [hbm4b:s4+s13], $0x10, s29, s13, $0xb8;
	[tilespmem:$0x16D80] =	vst v63  }
0x20: {  	[tilespmem:$0x16800] =	vst v0  }
0x21: {  	[tilespmem:$0x16810] =	vst v0  }
0x22: {  	[tilespmem:$0x16820] =	vst v0  }
0x23: {  	[tilespmem:$0x16830] =	vst v0  }
0x24: {  	[tilespmem:$0x16840] =	vst v0  }
0x25: {  	[tilespmem:$0x16850] =	vst v0  }
0x26: {  	[tilespmem:$0x16860] =	vst v0  }
0x27: {  	[tilespmem:$0x16870] =	vst v0  }
0x28: {  	[tilespmem:$0x16880] =	vst v1  }
0x29: {  	[tilespmem:$0x16890] =	vst v1  }
0x2a: {  	[tilespmem:$0x168A0] =	vst v1  }
0x2b: {  	[tilespmem:$0x168B0] =	vst v1  }
0x2c: {  	[tilespmem:$0x168C0] =	vst v1  }
0x2d: {  	[tilespmem:$0x168D0] =	vst v1  }
0x2e: {  	[tilespmem:$0x168E0] =	vst v1  }
0x2f: {  	[tilespmem:$0x168F0] =	vst v1  }
0x30: {  	[tilespmem:$0x16900] =	vst v1  }
0x31: {  	[tilespmem:$0x16910] =	vst v1  }
0x32: {  	[tilespmem:$0x16920] =	vst v1  }
0x33: {  	[tilespmem:$0x16930] =	vst v1  }
0x34: {  	[tilespmem:$0x16940] =	vst v1  }
0x35: {  	[tilespmem:$0x16950] =	vst v1  }
0x36: {  	[tilespmem:$0x16960] =	vst v1  }
0x37: {  	[tilespmem:$0x16970] =	vst v1  }
0x38: {  	[tilespmem:$0x16980] =	vst v1  }
0x39: {  	[tilespmem:$0x16990] =	vst v1  }
0x3a: {  	[tilespmem:$0x169A0] =	vst v1  }
0x3b: {  	[tilespmem:$0x169B0] =	vst v1  }
0x3c: {  	[tilespmem:$0x169C0] =	vst v1  }
0x3d: {  	[tilespmem:$0x169D0] =	vst v1  }
0x3e: {  	[tilespmem:$0x169E0] =	vst v1  }
0x3f: {  	[tilespmem:$0x169F0] =	vst v1  }
0x40: {  	[tilespmem:$0x16A00] =	vst v1  }
0x41: {  	[tilespmem:$0x16A10] =	vst v1  }
0x42: {  	[tilespmem:$0x16A20] =	vst v1  }
0x43: {  	[tilespmem:$0x16A30] =	vst v1  }
0x44: {  	[tilespmem:$0x16A40] =	vst v1  }
0x45: {  	[tilespmem:$0x16A50] =	vst v1  }
0x46: {  	[tilespmem:$0x16A60] =	vst v1  }
0x47: {  	[tilespmem:$0x16A70] =	vst v1  }
0x48: {  	[tilespmem:$0x16A80] =	vst v1  }
0x49: {  	[tilespmem:$0x16A90] =	vst v1  }
0x4a: {  	[tilespmem:$0x16AA0] =	vst v1  }
0x4b: {  	[tilespmem:$0x16AB0] =	vst v1  }
0x4c: {  	[tilespmem:$0x16AC0] =	vst v1  }
0x4d: {  	[tilespmem:$0x16AD0] =	vst v1  }
0x4e: {  	[tilespmem:$0x16AE0] =	vst v1  }
0x4f: {  	[tilespmem:$0x16AF0] =	vst v1  }
0x50: {  	[spmem:s7] =	stream.linear.scatter [tilespmem:s14], [sflag:$0x3], $0x280, $0x38;
	[tilespmem:$0x16D80] =	vst v63  }
0x51: {  	_ =	swait.ge [sflag:s11], $0x280  }
0x52: {  	[sflag:s11] =	ssyncset.done $0x0  }
0x53: {  	[sflag:s11] =	ssyncadd.s32 $0xFFFFFD80  }
0x54: {  	[bflag:$0x0] =	sbarrier.arrive $0xFFFF  }
0x55: {  	[spmem:s2] =	stream.indirect.scatter.add.f32 [tilespmem:s15], [sflag:$0x2], $0x1, s12, s13, $0xb8;
	[tilespmem:$0x16D80] =	vst v63  }
0x56: {  	s25 =	simm.s32 $0x1480  }
0x57: {  	[spmem:s2] =	stream.indirect.scatter.add.f32 [tilespmem:s15], [sflag:$0x2], $0x1, s25, s13, $0xb8;
	[tilespmem:$0x16D80] =	vst v63  }
0x58: {  	s28 =	simm.s32 $0x1500  }
0x59: {  	[spmem:s2] =	stream.indirect.scatter.add.f32 [tilespmem:s15], [sflag:$0x2], $0x1, s28, s13, $0xb8;
	[tilespmem:$0x16D80] =	vst v63  }
0x5a: {  	s29 =	simm.s32 $0x1580  }
0x5b: {  	[spmem:s2] =	stream.indirect.scatter.add.f32 [tilespmem:s15], [sflag:$0x2], $0x1, s29, s13, $0xb8;
	[tilespmem:$0x16D80] =	vst v63  }
0x5c: {  	s26 =	simm.s32 $0x1600  }
0x5d: {  	[spmem:s2] =	stream.indirect.scatter.add.f32 [tilespmem:s15], [sflag:$0x2], $0x1, s26, s13, $0xb8;
	[tilespmem:$0x16D80] =	vst v63  }
0x5e: {  	s28 =	simm.s32 $0x1680  }
0x5f: {  	[spmem:s2] =	stream.indirect.scatter.add.f32 [tilespmem:s15], [sflag:$0x2], $0x1, s28, s13, $0xb8;
	[tilespmem:$0x16D80] =	vst v63  }
0x60: {  	s29 =	simm.s32 $0x1700  }
0x61: {  	[spmem:s2] =	stream.indirect.scatter.add.f32 [tilespmem:s15], [sflag:$0x2], $0x1, s29, s13, $0xb8;
	[tilespmem:$0x16D80] =	vst v63  }
0x62: {  	s26 =	simm.s32 $0x1780  }
0x63: {  	[spmem:s2] =	stream.indirect.scatter.add.f32 [tilespmem:s15], [sflag:$0x2], $0x1, s26, s13, $0xb8;
	[tilespmem:$0x16D80] =	vst v63  }
0x64: {  	s28 =	simm.s32 $0x1800  }
0x65: {  	[spmem:s2] =	stream.indirect.scatter.add.f32 [tilespmem:s15], [sflag:$0x2], $0x1, s28, s13, $0xb8;
	[tilespmem:$0x16D80] =	vst v63  }
0x66: {  	s29 =	simm.s32 $0x1880  }
0x67: {  	[spmem:s2] =	stream.indirect.scatter.add.f32 [tilespmem:s15], [sflag:$0x2], $0x1, s29, s13, $0xb8;
	[tilespmem:$0x16D80] =	vst v63  }
0x68: {  	s26 =	simm.s32 $0x1900  }
0x69: {  	[spmem:s2] =	stream.indirect.scatter.add.f32 [tilespmem:s15], [sflag:$0x2], $0x1, s26, s13, $0xb8;
	[tilespmem:$0x16D80] =	vst v63  }
0x6a: {  	s28 =	simm.s32 $0x1980  }
0x6b: {  	[spmem:s2] =	stream.indirect.scatter.add.f32 [tilespmem:s15], [sflag:$0x2], $0x1, s28, s13, $0xb8;
	[tilespmem:$0x16D80] =	vst v63  }
0x6c: {  	s29 =	simm.s32 $0x1A00  }
0x6d: {  	[spmem:s2] =	stream.indirect.scatter.add.f32 [tilespmem:s15], [sflag:$0x2], $0x1, s29, s13, $0xb8;
	[tilespmem:$0x16D80] =	vst v63  }
0x6e: {  	s26 =	simm.s32 $0x1A80  }
0x6f: {  	[spmem:s2] =	stream.indirect.scatter.add.f32 [tilespmem:s15], [sflag:$0x2], $0x1, s26, s13, $0xb8;
	[tilespmem:$0x16D80] =	vst v63  }
0x70: {  	s28 =	simm.s32 $0x1B00  }
0x71: {  	[spmem:s2] =	stream.indirect.scatter.add.f32 [tilespmem:s15], [sflag:$0x2], $0x1, s28, s13, $0xb8;
	[tilespmem:$0x16D80] =	vst v63  }
0x72: {  	s29 =	simm.s32 $0x1B80  }
0x73: {  	[spmem:s2] =	stream.indirect.scatter.add.f32 [tilespmem:s15], [sflag:$0x2], $0x1, s29, s13, $0xb8;
	[tilespmem:$0x16D80] =	vst v63  }
0x74: {  	s26 =	simm.s32 $0x1C00  }
0x75: {  	[spmem:s2] =	stream.indirect.scatter.add.f32 [tilespmem:s15], [sflag:$0x2], $0x1, s26, s13, $0xb8;
	[tilespmem:$0x16D80] =	vst v63  }
0x76: {  	s28 =	simm.s32 $0x1C80  }
0x77: {  	[spmem:s2] =	stream.indirect.scatter.add.f32 [tilespmem:s15], [sflag:$0x2], $0x1, s28, s13, $0xb8;
	[tilespmem:$0x16D80] =	vst v63  }
0x78: {  	s29 =	simm.s32 $0x1D00  }
0x79: {  	[spmem:s2] =	stream.indirect.scatter.add.f32 [tilespmem:s15], [sflag:$0x2], $0x1, s29, s13, $0xb8;
	[tilespmem:$0x16D80] =	vst v63  }
0x7a: {  	s26 =	simm.s32 $0x1D80  }
0x7b: {  	[spmem:s2] =	stream.indirect.scatter.add.f32 [tilespmem:s15], [sflag:$0x2], $0x1, s26, s13, $0xb8;
	[tilespmem:$0x16D80] =	vst v63  }
0x7c: {  	s28 =	simm.s32 $0x1E00  }
0x7d: {  	[spmem:s2] =	stream.indirect.scatter.add.f32 [tilespmem:s15], [sflag:$0x2], $0x1, s28, s13, $0xb8;
	[tilespmem:$0x16D80] =	vst v63  }
0x7e: {  	s29 =	simm.s32 $0x1E80  }
0x7f: {  	[spmem:s2] =	stream.indirect.scatter.add.f32 [tilespmem:s15], [sflag:$0x2], $0x1, s29, s13, $0xb8;
	[tilespmem:$0x16D80] =	vst v63  }
0x80: {  	s26 =	simm.s32 $0x1F00  }
0x81: {  	[spmem:s2] =	stream.indirect.scatter.add.f32 [tilespmem:s15], [sflag:$0x2], $0x1, s26, s13, $0xb8;
	[tilespmem:$0x16D80] =	vst v63  }
0x82: {  	s28 =	simm.s32 $0x1F80  }
0x83: {  	[spmem:s2] =	stream.indirect.scatter.add.f32 [tilespmem:s15], [sflag:$0x2], $0x1, s28, s13, $0xb8;
	[tilespmem:$0x16D80] =	vst v63  }
0x84: {  	s29 =	simm.s32 $0x2000  }
0x85: {  	[spmem:s2] =	stream.indirect.scatter.add.f32 [tilespmem:s15], [sflag:$0x2], $0x1, s29, s13, $0xb8;
	[tilespmem:$0x16D80] =	vst v63  }
0x86: {  	s26 =	simm.s32 $0x2080  }
0x87: {  	[spmem:s2] =	stream.indirect.scatter.add.f32 [tilespmem:s15], [sflag:$0x2], $0x1, s26, s13, $0xb8;
	[tilespmem:$0x16D80] =	vst v63  }
0x88: {  	s28 =	simm.s32 $0x2100  }
0x89: {  	[spmem:s2] =	stream.indirect.scatter.add.f32 [tilespmem:s15], [sflag:$0x2], $0x1, s28, s13, $0xb8;
	[tilespmem:$0x16D80] =	vst v63  }
0x8a: {  	s29 =	simm.s32 $0x2180  }
0x8b: {  	[spmem:s2] =	stream.indirect.scatter.add.f32 [tilespmem:s15], [sflag:$0x2], $0x1, s29, s13, $0xb8;
	[tilespmem:$0x16D80] =	vst v63  }
0x8c: {  	s26 =	simm.s32 $0x2200  }
0x8d: {  	[spmem:s2] =	stream.indirect.scatter.add.f32 [tilespmem:s15], [sflag:$0x2], $0x1, s26, s13, $0xb8;
	[tilespmem:$0x16D80] =	vst v63  }
0x8e: {  	s28 =	simm.s32 $0x2280  }
0x8f: {  	[spmem:s2] =	stream.indirect.scatter.add.f32 [tilespmem:s15], [sflag:$0x2], $0x1, s28, s13, $0xb8;
	[tilespmem:$0x16D80] =	vst v63  }
0x90: {  	s29 =	simm.s32 $0x2300  }
0x91: {  	[spmem:s2] =	stream.indirect.scatter.add.f32 [tilespmem:s15], [sflag:$0x2], $0x1, s29, s13, $0xb8;
	[tilespmem:$0x16D80] =	vst v63  }
0x92: {  	_ = 	snop  }
0x93: {  	[spmem:s2] =	stream.indirect.scatter.add.f32 [tilespmem:s15], [sflag:$0x2], $0x1, s30, s13, $0xb8;
	[tilespmem:$0x16D80] =	vst v63  }
0x94: {  	_ = 	snop  }
0x95: {  	[spmem:s2] =	stream.indirect.scatter.add.f32 [tilespmem:s15], [sflag:$0x2], $0x1, s31, s13, $0xb8;
	[tilespmem:$0x16D80] =	vst v63  }
0x96: {  	_ = 	snop  }
0x97: {  	[spmem:s2] =	stream.indirect.scatter.add.f32 [tilespmem:s15], [sflag:$0x2], $0x1, s1, s13, $0xb8;
	[tilespmem:$0x16D80] =	vst v63  }
0x98: {  	_ = 	snop  }
0x99: {  	[spmem:s2] =	stream.indirect.scatter.add.f32 [tilespmem:s15], [sflag:$0x2], $0x1, s0, s13, $0xb8;
	[tilespmem:$0x16D80] =	vst v63  }
0x9a: {  	_ = 	snop  }
0x9b: {  	[spmem:s2] =	stream.indirect.scatter.add.f32 [tilespmem:s15], [sflag:$0x2], $0x1, s16, s13, $0xb8;
	[tilespmem:$0x16D80] =	vst v63  }
0x9c: {  	_ = 	snop  }
0x9d: {  	[spmem:s2] =	stream.indirect.scatter.add.f32 [tilespmem:s15], [sflag:$0x2], $0x1, s17, s13, $0xb8;
	[tilespmem:$0x16D80] =	vst v63  }
0x9e: {  	_ = 	snop  }
0x9f: {  	[spmem:s2] =	stream.indirect.scatter.add.f32 [tilespmem:s15], [sflag:$0x2], $0x1, s18, s13, $0xb8;
	[tilespmem:$0x16D80] =	vst v63  }
0xa0: {  	_ = 	snop  }
0xa1: {  	[spmem:s2] =	stream.indirect.scatter.add.f32 [tilespmem:s15], [sflag:$0x2], $0x1, s19, s13, $0xb8;
	[tilespmem:$0x16D80] =	vst v63  }
0xa2: {  	_ = 	snop  }
0xa3: {  	[spmem:s2] =	stream.indirect.scatter.add.f32 [tilespmem:s15], [sflag:$0x2], $0x1, s20, s13, $0xb8;
	[tilespmem:$0x16D80] =	vst v63  }
0xa4: {  	_ =	swait.ge [sflag:s21], $0x80  }
0xa5: {  	s25 =	simm.s32 $0x27;
	[sflag:s21] =	ssyncset.done $0x0  }
.LBB2_4:
0xa6: {  	p0 =	sne.s32 s25, $0x1;
	s25 =	sadd.s32 $0xFFFFFFFF, s25;
	[sflag:s21] =	ssyncadd.s32 $0xFFFFFF80  }
.Ltmp1:
0xa7: {  	(pc) =	sbr.rel @p0 .LBB2_4-.Ltmp1, $3  }
0xa8: {  	_ =	sdelay $0x1  }
0xa9: {  	_ =	swait.ge [sflag:s21], $0x80  }
0xaa: {  	[sflag:s21] =	ssyncset.done $0x0  }
0xab: {  	[sflag:s21] =	ssyncadd.s32 $0xFFFFFF80  }
0xac: {  	[bflag:$0x0] =	sbarrier.arrive $0xFFFF  }
0xad: {  	[tilespmem:s14], [sflag:$0x3] =	stream.linear.gather [spmem:s7], $0x280, $0x38;
	[tilespmem:$0x16D80] =	vst v63  }
0xae: {  	_ =	swait.ge [sflag:s11], $0x280  }
0xaf: {  	[sflag:s11] =	ssyncset.done $0x0  }
0xb0: {  	[sflag:s11] =	ssyncadd.s32 $0xFFFFFD80  }
0xb1: {  	[hbm4b:s8+s3] =	stream.linear.scatter [tilespmem:s14], [sflag:$0x3], $0x280, $0x38;
	[tilespmem:$0x16D80] =	vst v63  }
0xb2: {  	_ =	swait.ge [sflag:s11], $0x280  }
0xb3: {  	[sflag:s11] =	ssyncset.done $0x0  }
0xb4: {  	[sflag:s11] =	ssyncadd.s32 $0xFFFFFD80  }
0xb5: {  	_ =	swait.ge [sflag:s22], $0x800  }
0xb6: {  	s25 =	simm.s32 $0x27;
	[sflag:s22] =	ssyncset.done $0x0  }
.LBB2_6:
0xb7: {  	p0 =	sne.s32 s25, $0x1;
	s25 =	sadd.s32 $0xFFFFFFFF, s25;
	[sflag:s22] =	ssyncadd.s32 $0xFFFFF800  }
.Ltmp2:
0xb8: {  	(pc) =	sbr.rel @p0 .LBB2_6-.Ltmp2, $3  }
0xb9: {  	_ =	sdelay $0x1  }
0xba: {  	_ =	swait.ge [sflag:s22], $0x800  }
0xbb: {  	[sflag:s22] =	ssyncset.done $0x0  }
0xbc: {  	s24 =	sadd.s32 $0x1, s24  }
0xbd: {  	p0 =	sne.s32 s24, s10  }
.Ltmp3:
0xbe: {  	[sflag:s22] =	ssyncadd.s32 $0xFFFFF800;
	(pc) =	sbr.rel @p0 .LBB2_1-.Ltmp3, $4  }
0xbf: {  	[hbm4b:s9+s3] =	stream.linear.scatter [tilespmem:s23], [sflag:$0x3], $0x14000, $0x38;
	[tilespmem:$0x16D80] =	vst v63  }
0xc0: {  	_ =	swait.ge [sflag:s11], $0x14000  }
0xc1: {  	[sflag:s11] =	ssyncset.done $0x0  }
0xc2: {  	[sflag:s11] =	ssyncadd.s32 $0xFFFEC000  }
0xc3: {  	_ =	sfence.sel $0x180000  }
0xc4: {  	[bflag:$0x0] =	sbarrier.arrive $0xFFFF  }
0xc5: {  	_ =	strace $0x90000047  }
0xc6: {  	s0 =	stileid.u32;
	[bflag:$0x2] =	sbarrier.arrive $0xFFFF  }
0xc7: {  	p0 =	sne.s32 s0, $0x0;
	s0 =	rddreg [dreg:$0x3]  }
0xc8: {  	s0 =	sadd.s32 @!p0 $0x100000, s0  }
0xc9: {  	[sflag:s0] =	ssyncadd.tile.s32 @!p0 $0x1;
	_ =	shalt  }
.Lfunc_end2:
_tile_overlayer_lowered:
.L_overlay_start_2:
0xca: {  	(tag) =	ssettag $0x2  }
0xcb: {  	s0 =	rddreg [dreg:$0x0];
	s2 =	stileid.u32  }
0xcc: {  	s1 =	rddreg [dreg:$0x1];
	p0 =	sne.s32 s2, $0x0  }
0xcd: {  	s3 =	rddreg [dreg:$0x2];
	[bflag:$0x3] =	sbarrier.arrive $0xFFFF;
	s2 =	simm.s32 @!p0 $0x1C03  }
0xce: {  	[timem:s3], [sflag:s2] =	dma.local @!p0 [hbm:s0], s1  }
0xcf: {  	s0 =	simm.s32 @!p0 $0x3  }
0xd0: {  	_ =	swait.ge @!p0 [sflag:s0], s1  }
0xd1: {  	s1 =	ssub.s32 @!p0 $0x0, s1;
	[sflag:s0] =	ssyncset.done @!p0 $0x0  }
0xd2: {  	[sflag:s0] =	ssyncadd.s32 @!p0 s1  }
0xd3: {  	[bflag:$0x3] =	sbarrier.arrive $0xFFFF  }
0xd4: {  	_ =	shalt  }

// kernel: kernel.13.cloned.1.call-start
scs
__scs_entry_jumppad:
0x0: {  	(pc) =	sbr.rel $0x88, $3  }
0x1: {  	(tag) =	ssettag $0x0;
	lr =	simm.s32 $0x1  }
0x2: {  	[smem:$0x3F92] =	sst lr;
	_ =	strace $0xD0000000  }
0x3: {  	_ = 	snop  }
0x4: {  	_ = 	snop  }
0x5: {  	_ = 	snop  }
0x6: {  	_ = 	snop  }
0x7: {  	_ = 	snop  }
__scs_overlays_trampoline_lowered:
0x8: {  	[smem:$0x3FA1] =	sst s0  }
0x9: {  	[smem:$0x3FA2] =	sst s1  }
0xa: {  	[smem:$0x3FA3] =	sst s2  }
0xb: {  	[smem:$0x3FA4] =	sst s3  }
0xc: {  	[smem:$0x3FA5] =	sst s4  }
0xd: {  	[smem:$0x3FA6] =	sst s5  }
0xe: {  	[smem:$0x3FA7] =	sst s6  }
0xf: {  	[smem:$0x3FA8] =	sst s7  }
0x10: {  	[smem:$0x3FA9] =	sst s8  }
0x11: {  	[smem:$0x3FAA] =	sst s9;
	s0 =	simm.s32 @!p0 $0x0  }
0x12: {  	s1 =	sld [smem:$0x3F90];
	s0 =	simm.s32 @p0 $0x1  }
0x13: {  	[smem:$0x3FAB] =	sst s0;
	s0 =	simm.s32 @!p1 $0x0  }
0x14: {  	s2 =	sld [smem:$0x3F8F];
	s0 =	simm.s32 @p1 $0x1  }
0x15: {  	[smem:$0x3FAC] =	sst s0;
	s0 =	simm.s32 @!p2 $0x0  }
0x16: {  	s3 =	sld [smem:$0x3FDB];
	s0 =	simm.s32 @p2 $0x1  }
0x17: {  	s4 =	simm.s32 $0x1BF5;
	[smem:$0x3FAE] =	sst s0  }
0x18: {  	s0 =	sld [smem:$0x3F91];
	_ =	swait.ge [sflag:s4], $0x0  }
0x19: {  	s7 =	sld [smem:$0x3F92]  }
0x1a: {  	s8 =	sadd.s32 $0xFFFFE003, lr  }
0x1b: {  	s9 =	sadd.s32 $0xFFFFFEF7, lr;
	s5 =	simm.s32 $0xFFFFFFFF;
	p2 =	slt.u32 s8, $0xFFFFF086  }
0x1c: {  	p1 =	slt.u32 s9, $0xF7A;
	s5 =	simm.s32 @!p2 $0x0  }
0x1d: {  	s5 =	simm.s32 @p1 $0x1;
	p0 =	seq.s32 s7, s2  }
0x1e: {  	s7 =	smul.u32 @!p0 $0xF7A, s2;
	p2 =	seq.s32 @!p0 s5, $0x0  }
0x1f: {  	s9 =	smul.u32 $0xF7A, s1;
	s8 =	simm.s32 @!p0 $0x1BF5;
	p2 =	por !p2, p0  }
0x20: {  	[sflag:s8] =	ssyncset.s32 @!p0 $0xFFFFF086;
	s6 =	sadd.s32 @!p0 s3, s7;
	s7 =	simm.s32 @!p0 $0x108  }
0x21: {  	s3 =	sadd.s32 s3, s9;
	s6 =	sadd.s32 @!p0 $0x88, s6;
	s7 =	simm.s32 @p2 $0x1082  }
0x22: {  	[simem:s7], [sflag:s8] =	dma.local @!p0 [hbm:s6], $0xF7A  }
0x23: {  	s9 =	sor.u32 $0xD0000000, s2;
	s6 =	simm.s32 $0x108;
	_ =	swait.ge @!p0 [sflag:s8], $0x0  }
0x24: {  	s3 =	sadd.s32 $0x88, s3;
	s6 =	simm.s32 @!p1 $0x1082;
	[sflag:s4] =	ssyncset.s32 $0xFFFFF086  }
0x25: {  	[simem:s6], [sflag:s4] =	dma.local [hbm:s3], $0xF7A  }
0x26: {  	[smem:$0x3F92] =	sst s1;
	(tag) =	ssettag s2;
	_ =	strace s9  }
0x27: {  	s1 =	sld [smem:$0x3FA2]  }
0x28: {  	s2 =	sld [smem:$0x3FA3]  }
0x29: {  	s4 =	sld [smem:$0x3FA5]  }
0x2a: {  	p0 =	seq.s32 s5, $0x0;
	s5 =	sld [smem:$0x3FA6]  }
0x2b: {  	s6 =	sld [smem:$0x3FA7]  }
0x2c: {  	s7 =	sld [smem:$0x3FA8]  }
0x2d: {  	s3 =	simm.s32 $0x108;
	s8 =	sld [smem:$0x3FA9]  }
0x2e: {  	s3 =	simm.s32 @!p0 $0x1082;
	s9 =	sld [smem:$0x3FAA]  }
0x2f: {  	lr =	sadd.s32 s0, s3;
	s0 =	sld [smem:$0x3FA1]  }
0x30: {  	s3 =	sld [smem:$0x3FA4]  }
0x31: {  	[smem:$0x3FAD] =	sst s10  }
0x32: {  	s10 =	sld [smem:$0x3FAB];
	_ =	sdelay $0x3  }
0x33: {  	p0 =	seq.s32 s10, $0x1;
	s10 =	sld [smem:$0x3FAD];
	_ =	sdelay $0x3  }
0x34: {  	[smem:$0x3FAD] =	sst s10  }
0x35: {  	s10 =	sld [smem:$0x3FAC];
	_ =	sdelay $0x3  }
0x36: {  	p1 =	seq.s32 s10, $0x1;
	s10 =	sld [smem:$0x3FAD];
	_ =	sdelay $0x3  }
0x37: {  	[smem:$0x3FAD] =	sst s10  }
0x38: {  	s10 =	sld [smem:$0x3FAE]  }
0x39: {  	_ = 	snop;
	(pc) =	sbr.ind lr, $3  }
0x3a: {  	_ = 	snop  }
0x3b: {  	_ = 	snop  }
0x3c: {  	p2 =	seq.s32 s10, $0x1;
	s10 =	sld [smem:$0x3FAD]  }
0x3d: {  	_ =	shalt  }
0x3e: {  	_ =	shalt  }
0x3f: {  	_ =	shalt  }
0x40: {  	_ =	shalt  }
0x41: {  	_ =	shalt  }
0x42: {  	_ =	shalt  }
0x43: {  	_ =	shalt  }
0x44: {  	_ =	shalt  }
0x45: {  	_ =	shalt  }
0x46: {  	_ =	shalt  }
0x47: {  	_ =	shalt  }
0x48: {  	_ =	shalt  }
0x49: {  	_ =	shalt  }
0x4a: {  	_ =	shalt  }
0x4b: {  	_ =	shalt  }
0x4c: {  	_ =	shalt  }
0x4d: {  	_ =	shalt  }
0x4e: {  	_ =	shalt  }
0x4f: {  	_ =	shalt  }
0x50: {  	_ =	shalt  }
0x51: {  	_ =	shalt  }
0x52: {  	_ =	shalt  }
0x53: {  	_ =	shalt  }
0x54: {  	_ =	shalt  }
0x55: {  	_ =	shalt  }
0x56: {  	_ =	shalt  }
0x57: {  	_ =	shalt  }
0x58: {  	_ =	shalt  }
0x59: {  	_ =	shalt  }
0x5a: {  	_ =	shalt  }
0x5b: {  	_ =	shalt  }
0x5c: {  	_ =	shalt  }
0x5d: {  	_ =	shalt  }
0x5e: {  	_ =	shalt  }
0x5f: {  	_ =	shalt  }
0x60: {  	_ =	shalt  }
0x61: {  	_ =	shalt  }
0x62: {  	_ =	shalt  }
0x63: {  	_ =	shalt  }
0x64: {  	_ =	shalt  }
0x65: {  	_ =	shalt  }
0x66: {  	_ =	shalt  }
0x67: {  	_ =	shalt  }
0x68: {  	_ =	shalt  }
0x69: {  	_ =	shalt  }
0x6a: {  	_ =	shalt  }
0x6b: {  	_ =	shalt  }
0x6c: {  	_ =	shalt  }
0x6d: {  	_ =	shalt  }
0x6e: {  	_ =	shalt  }
0x6f: {  	_ =	shalt  }
0x70: {  	_ =	shalt  }
0x71: {  	_ =	shalt  }
0x72: {  	_ =	shalt  }
0x73: {  	_ =	shalt  }
0x74: {  	_ =	shalt  }
0x75: {  	_ =	shalt  }
0x76: {  	_ =	shalt  }
0x77: {  	_ =	shalt  }
0x78: {  	_ =	shalt  }
0x79: {  	_ =	shalt  }
0x7a: {  	_ =	shalt  }
0x7b: {  	_ =	shalt  }
0x7c: {  	_ =	shalt  }
0x7d: {  	_ =	shalt  }
0x7e: {  	_ =	shalt  }
0x7f: {  	_ =	shalt  }
0x80: {  	_ =	shalt  }
0x81: {  	_ =	shalt  }
0x82: {  	_ =	shalt  }
0x83: {  	_ =	shalt  }
0x84: {  	_ =	shalt  }
0x85: {  	_ =	shalt  }
0x86: {  	_ =	shalt  }
0x87: {  	_ =	shalt  }
.Lfunc_end0:
.L_simem_size_0:
called_computation.1_lowered:
.L_overlay_start_0:
0x88: {  	s2 =	sld [smem:$0x3FD9]  }
0x89: {  	s3 =	sld [smem:$0x3FFE];
	_ =	sdelay $0x1  }
0x8a: {  	s1 =	srdreg.scid  }
0x8b: {  	s0 =	sand.u32 $0x1, s1  }
0x8c: {  	s16 =	sshll.u32 s0, $0xA;
	s2 =	sadd.s32 s3, s2  }
0x8d: {  	s2 =	sadd.s32 s2, s16  }
0x8e: {  	[smem:$0x3FB9] =	sst s2  }
0x8f: {  	_ = 	snop  }
0x90: {  	(tm) =	ssettm $0x1  }
0x91: {  	s17 =	sld [smem:$0x3FFB];
	_ =	sdelay $0x3  }
0x92: {  	_ =	strace s17  }
0x93: {  	s2 =	sld [smem:$0x3FFC];
	_ =	sdelay $0x3  }
0x94: {  	_ =	strace s2  }
0x95: {  	s2 =	sld [smem:$0x3FFD];
	_ =	sdelay $0x3  }
0x96: {  	_ =	strace s2  }
0x97: {  	_ =	strace $0x8FFFFFFF  }
0x98: {  	s18 =	sld [smem:$0x3FDB];
	_ =	sdelay $0x1  }
0x99: {  	s19 =	simm.s32 $_scs_section_size  }
0x9a: {  	s4 =	simm.s32 $_size__tile_overlayer_lowered;
	s5 =	simm.s32 $_tile_overlayer_lowered  }
0x9b: {  	s22 =	simm.s32 $0x1BFF;
	s21 =	sshll.u32 s5, $0x1;
	s2 =	sadd.s32 s19, s18  }
0x9c: {  	s6 =	simm.s32 $0x0;
	s20 =	sshll.u32 s4, $0x1;
	s4 =	sadd.s32 s21, s2  }
0x9d: {  	[timem:s6], [sflag:s22] =	dma.local [hbm:s4], s20  }
0x9e: {  	_ =	swait.ge [sflag:s22], s20  }
0x9f: {  	s3 =	ssub.s32 $0x0, s20;
	[sflag:s22] =	ssyncset.done $0x0  }
0xa0: {  	[sflag:s22] =	ssyncadd.s32 s3;
	_ =	sdelay $0x1  }
0xa1: {  	s23 =	simm.s32 $0x1B8B  }
0xa2: {  	_ =	swait.ge [sflag:s23], $0x1  }
0xa3: {  	[sflag:s23] =	ssyncset.done $0x0  }
0xa4: {  	s25 =	simm.s32 $0x1B8E;
	s24 =	sld [smem:$0x3FFE];
	[sflag:s23] =	ssyncadd.s32 $0xFFFFFFFF  }
0xa5: {  	s26 =	simm.s32 $execute0_lowered;
	[smem:$0x3FD2] =	sst s25  }
0xa6: {  	s4 =	sshll.u32 s26, $0x1;
	_ =	strace $0x80000049;
	[dreg:$0x1] =	wrdreg $0xFFFFFFFF  }
0xa7: {  	s28 =	simm.s32 $_size_execute0_lowered;
	s2 =	sadd.s32 s2, s4;
	[dreg:$0x0] =	wrdreg $0x0  }
0xa8: {  	s4 =	sshll.u32 s28, $0x1;
	[dreg:$0x2] =	wrdreg s2  }
0xa9: {  	[dreg:$0x3] =	wrdreg s4  }
0xaa: {  	[dreg:$0x4] =	wrdreg $0xC0  }
0xab: {  	_ =	task [dreg:s6], $0x5FFFF  }
0xac: {  	[dreg:$0x1] =	wrdreg $0xFFFFFFFF  }
0xad: {  	[dreg:$0x0] =	wrdreg $0x60  }
0xae: {  	[dreg:$0x2] =	wrdreg s24  }
0xaf: {  	[dreg:$0x3] =	wrdreg $0x5C000  }
0xb0: {  	[dreg:$0x4] =	wrdreg $0x9  }
0xb1: {  	_ =	task.clear_ibuf [dreg:s6], $0x5FFFF;
	_ =	strace $0x90000049  }
0xb2: {  	s29 =	simm.s32 $0x9;
	_ =	strace $0x8000004B  }
0xb3: {  	_ =	swait.ge [sflag:s29], $0x1  }
0xb4: {  	[sflag:s29] =	ssyncadd.s32 $0xFFFFFFFF  }
0xb5: {  	_ =	strace $0x9000004B  }
0xb6: {  	_ =	sfence  }
0xb7: {  	s30 =	sld [smem:$0x0];
	_ =	sdelay $0x2  }
0xb8: {  	s31 =	sshll.u32 s1, $0xD;
	s1 =	sshrl.u32 s1, $0x2  }
0xb9: {  	s3 =	sand.u32 $0x4000, s31;
	s1 =	sadd.s32 s1, s30  }
0xba: {  	s0 =	sor.u32 s3, s0;
	s1 =	sshll.u32 s1, $0x11  }
0xbb: {  	s0 =	sor.u32 s1, s0  }
0xbc: {  	s0 =	sadd.s32 $0x8F2B, s0  }
0xbd: {  	[sflag:s0] =	ssyncadd.remote.s32 $0x1  }
0xbe: {  	_ =	sfence.sel $0xFFFF  }
0xbf: {  	[dreg:$0x0] =	wrdreg $0xFFFFFFFF;
	(pc) =	sbr.abs _section_cstart, $3  }
0xc0: {  	[dreg:$0x1] =	wrdreg $0xFFFFFFFF  }
0xc1: {  	_ =	task.clear_ibuf [dreg:s6], $0x2FFFF;
	_ =	strace $0x9FFFFFFF  }
0xc2: {  	(tm) =	ssettm $0x7FFFFFFF  }
0xc3: {  	_ =	shalt  }
tec
execute0_lowered:
.L_overlay_start_1:
0x0: {  	(tag) =	ssettag $0x1  }
0x1: {  	s0 =	srdreg.scid  }
0x2: {  	s4 =	rddreg [dreg:$0x0];
	s7 =	sand.u32 $0x1, s0;
	s0 =	stileid.u32  }
0x3: {  	s2 =	rddreg [dreg:$0x1];
	s8 =	smul.u32 $0x2800, s0  }
0x4: {  	s3 =	simm.s32 $0x0;
	s17 =	simm.s32 $0x3400;
	s9 =	smul.u32 $0x28000, s7  }
0x5: {  	s18 =	simm.s32 $0x1400;
	s19 =	simm.s32 $0x1C00;
	s14 =	smul.u32 $0x140000, s7  }
0x6: {  	s20 =	simm.s32 $0x2400;
	s21 =	simm.s32 $0x2C00;
	s15 =	smul.u32 $0x14000, s0  }
0x7: {  	s22 =	simm.s32 $0x1;
	s1 =	sshll.u32 s7, $0x4;
	s16 =	smul.u32 $0x14000, s7  }
0x8: {  	s28 =	simm.s32 $0x0;
	s25 =	smul.u32 $0x1400, s0;
	s5 =	sor.u32 s0, s1  }
0x9: {  	[smem:$0x7FF] =	sst s3;
	s13 =	sadd.s32 $0x39C00, s4;
	s6 =	smul.u32 $0x1400, s5  }
0xa: {  	_ =	strace $0x8000004A;
	s11 =	ssub.s32 $0x2, s7;
	s10 =	smul.u32 $0x14000, s5  }
0xb: {  	s23 =	sshrl.u32 s11, $0x1;
	s9 =	sadd.s32 s8, s9;
	s12 =	smul.u32 $0x2800, s5  }
0xc: {  	s11 =	ssub.s32 s11, s23;
	s5 =	sadd.s32 s8, s2;
	s29 =	sadd.s32 s15, s14  }
0xd: {  	s30 =	sadd.s32 s25, s16;
	s16 =	simm.s32 $0x3;
	s23 =	simm.s32 $0x80  }
0xe: {  	s25 =	simm.s32 $0x180;
	s9 =	sshrl.u32 s9, $0x3;
	s7 =	smax.u32 s11, $0x1  }
0xf: {  	s14 =	sshll.u32 s30, $0x1;
	s6 =	sshrl.u32 s6, $0x3;
	s9 =	sadd.s32 s9, s4  }
0x10: {  	s24 =	sshrl.u32 s10, $0x3;
	s26 =	sadd.s32 s12, s13;
	s12 =	sor.u32 $0x2000, s29  }
0x11: {  	s31 =	sadd.s32 s14, s13;
	s6 =	sadd.s32 s6, s4;
	s8 =	sadd.s32 s13, s24  }
0x12: {  	s10 =	sadd.s32 $0x200, s26;
	s12 =	sshrl.u32 s12, $0x3;
	s11 =	sadd.s32 $0x300, s26  }
0x13: {  	s14 =	sadd.s32 $0x600, s31;
	s15 =	sadd.s32 $0x500, s31;
	s24 =	simm.s32 $0x100  }
0x14: {  	s4 =	sadd.s32 $0x2FC00, s6;
	s6 =	sadd.s32 $0x89C00, s9;
	s9 =	sadd.s32 $0x100, s26  }
0x15: {  	v0 =	vimm.f32 $0.0e+00;
	s12 =	sadd.s32 s12, s13;
	s13 =	sadd.s32 $0x700, s31;
	s26 =	simm.s32 $0x2  }
.LBB2_1:
0x16: {  	[tilespmem:s3], [sflag:$0x3] =	stream.linear.gather [hbm4b:s4+s3], $0x1400, $0x38;
	[tilespmem:$0x8400] =	vst v63  }
0x17: {  	_ =	swait.ge [sflag:s16], $0x1400  }
0x18: {  	[sflag:s16] =	ssyncset.done $0x0  }
0x19: {  	s29 =	simm.s32 $0x40;
	s30 =	simm.s32 $0x0;
	[sflag:s16] =	ssyncadd.s32 $0xFFFFEC00  }
.LBB2_2:
0x1a: {  	p0 =	sne.s32 s29, $0x9FC0;
	[tilespmem:s30+$0x3400] =	vst v0;
	s30 =	smov.u32 s29;
	s29 =	sadd.s32 $0x40, s29  }
.Ltmp0:
0x1b: {  	(pc) =	sbr.rel @p0 .LBB2_2-.Ltmp0, $2  }
0x1c: {  	_ =	sdelay $0x2  }
0x1d: {  	s30 =	sshra.s32 s30, $0x2  }
0x1e: {  	[tilespmem:s30+$0x3400] =	vst v0  }
0x1f: {  	[spmem:s5] =	stream.linear.scatter [tilespmem:s17], [sflag:$0x3], $0x2800, $0x38;
	[tilespmem:$0x8400] =	vst v63  }
0x20: {  	_ =	swait.ge [sflag:s16], $0x2800  }
0x21: {  	[sflag:s16] =	ssyncset.done $0x0  }
0x22: {  	[sflag:s16] =	ssyncadd.s32 $0xFFFFD800  }
0x23: {  	s29 =	simm.s32 $0x0;
	[bflag:$0x0] =	sbarrier.arrive $0xFFFF  }
0x24: {  	[tilespmem:s18], [sflag:$0x1] =	stream.linear.gather [hbm4b:s8+s29], $0x800, $0x38;
	[tilespmem:$0x8400] =	vst v63  }
0x25: {  	_ = 	snop  }
0x26: {  	[tilespmem:s19], [sflag:$0x1] =	stream.linear.gather [hbm4b:s9+s29], $0x800, $0x38;
	[tilespmem:$0x8400] =	vst v63  }
0x27: {  	_ = 	snop  }
0x28: {  	[tilespmem:s20], [sflag:$0x1] =	stream.linear.gather [hbm4b:s10+s29], $0x800, $0x38;
	[tilespmem:$0x8400] =	vst v63  }
0x29: {  	_ = 	snop  }
0x2a: {  	[tilespmem:s21], [sflag:$0x1] =	stream.linear.gather [hbm4b:s11+s29], $0x800, $0x38;
	[tilespmem:$0x8400] =	vst v63  }
0x2b: {  	_ =	swait.ge [sflag:s22], $0x800  }
0x2c: {  	[sflag:s22] =	ssyncset.done $0x0  }
0x2d: {  	[sflag:s22] =	ssyncadd.s32 $0xFFFFF800  }
0x2e: {  	[spmem:s2] =	stream.indirect.scatter.add.f32 [tilespmem:s18], [sflag:$0x2], $0x10, s29, s23, $0xb8;
	[tilespmem:$0x8400] =	vst v63  }
0x2f: {  	_ =	swait.ge [sflag:s22], $0x800  }
0x30: {  	[sflag:s22] =	ssyncset.done $0x0  }
0x31: {  	[sflag:s22] =	ssyncadd.s32 $0xFFFFF800  }
0x32: {  	[spmem:s2] =	stream.indirect.scatter.add.f32 [tilespmem:s19], [sflag:$0x2], $0x10, s23, s23, $0xb8;
	[tilespmem:$0x8400] =	vst v63  }
0x33: {  	_ =	swait.ge [sflag:s22], $0x800  }
0x34: {  	[sflag:s22] =	ssyncset.done $0x0  }
0x35: {  	[sflag:s22] =	ssyncadd.s32 $0xFFFFF800  }
0x36: {  	[spmem:s2] =	stream.indirect.scatter.add.f32 [tilespmem:s20], [sflag:$0x2], $0x10, s24, s23, $0xb8;
	[tilespmem:$0x8400] =	vst v63  }
0x37: {  	_ =	swait.ge [sflag:s22], $0x800  }
0x38: {  	[sflag:s22] =	ssyncset.done $0x0  }
0x39: {  	[sflag:s22] =	ssyncadd.s32 $0xFFFFF800  }
0x3a: {  	[spmem:s2] =	stream.indirect.scatter.add.f32 [tilespmem:s21], [sflag:$0x2], $0x10, s25, s23, $0xb8;
	[tilespmem:$0x8400] =	vst v63  }
0x3b: {  	_ =	swait.ge [sflag:s26], $0x800  }
0x3c: {  	[sflag:s26] =	ssyncset.done $0x0  }
0x3d: {  	[sflag:s26] =	ssyncadd.s32 $0xFFFFF800  }
0x3e: {  	_ =	swait.ge [sflag:s26], $0x800  }
0x3f: {  	[sflag:s26] =	ssyncset.done $0x0  }
0x40: {  	[sflag:s26] =	ssyncadd.s32 $0xFFFFF800  }
0x41: {  	_ =	swait.ge [sflag:s26], $0x800  }
0x42: {  	[sflag:s26] =	ssyncset.done $0x0  }
0x43: {  	[sflag:s26] =	ssyncadd.s32 $0xFFFFF800  }
0x44: {  	_ =	swait.ge [sflag:s26], $0x800  }
0x45: {  	[sflag:s26] =	ssyncset.done $0x0  }
0x46: {  	s29 =	sadd.s32 $0x0, s12;
	[sflag:s26] =	ssyncadd.s32 $0xFFFFF800  }
0x47: {  	[tilespmem:s18], [sflag:$0x1] =	stream.linear.gather [hbm4b:s29+s3], $0x800, $0x38;
	[tilespmem:$0x8400] =	vst v63  }
0x48: {  	s29 =	sadd.s32 $0x0, s15  }
0x49: {  	[tilespmem:s19], [sflag:$0x1] =	stream.linear.gather [hbm4b:s29+s3], $0x800, $0x38;
	[tilespmem:$0x8400] =	vst v63  }
0x4a: {  	s29 =	sadd.s32 $0x0, s14  }
0x4b: {  	[tilespmem:s20], [sflag:$0x1] =	stream.linear.gather [hbm4b:s29+s3], $0x800, $0x38;
	[tilespmem:$0x8400] =	vst v63  }
0x4c: {  	s29 =	sadd.s32 $0x0, s13  }
0x4d: {  	[tilespmem:s21], [sflag:$0x1] =	stream.linear.gather [hbm4b:s29+s3], $0x800, $0x38;
	[tilespmem:$0x8400] =	vst v63  }
0x4e: {  	_ =	swait.ge [sflag:s22], $0x800  }
0x4f: {  	[sflag:s22] =	ssyncset.done $0x0  }
0x50: {  	s29 =	simm.s32 $0x200;
	[sflag:s22] =	ssyncadd.s32 $0xFFFFF800  }
0x51: {  	[spmem:s2] =	stream.indirect.scatter.add.f32 [tilespmem:s18], [sflag:$0x2], $0x10, s29, s23, $0xb8;
	[tilespmem:$0x8400] =	vst v63  }
0x52: {  	_ =	swait.ge [sflag:s22], $0x800  }
0x53: {  	[sflag:s22] =	ssyncset.done $0x0  }
0x54: {  	s29 =	simm.s32 $0x280;
	[sflag:s22] =	ssyncadd.s32 $0xFFFFF800  }
0x55: {  	[spmem:s2] =	stream.indirect.scatter.add.f32 [tilespmem:s19], [sflag:$0x2], $0x10, s29, s23, $0xb8;
	[tilespmem:$0x8400] =	vst v63  }
0x56: {  	_ =	swait.ge [sflag:s22], $0x800  }
0x57: {  	[sflag:s22] =	ssyncset.done $0x0  }
0x58: {  	s29 =	simm.s32 $0x300;
	[sflag:s22] =	ssyncadd.s32 $0xFFFFF800  }
0x59: {  	[spmem:s2] =	stream.indirect.scatter.add.f32 [tilespmem:s20], [sflag:$0x2], $0x10, s29, s23, $0xb8;
	[tilespmem:$0x8400] =	vst v63  }
0x5a: {  	_ =	swait.ge [sflag:s22], $0x800  }
0x5b: {  	s31 =	simm.s32 $0x380;
	[sflag:s22] =	ssyncset.done $0x0  }
0x5c: {  	s30 =	simm.s32 $0x400;
	s29 =	simm.s32 $0x400;
	[sflag:s22] =	ssyncadd.s32 $0xFFFFF800  }
.LBB2_4:
0x5d: {  	[spmem:s2] =	stream.indirect.scatter.add.f32 [tilespmem:s21], [sflag:$0x2], $0x10, s31, s23, $0xb8;
	[tilespmem:$0x8400] =	vst v63  }
0x5e: {  	s31 =	smov.u32 s29  }
0x5f: {  	p0 =	sne.s32 s29, $0x2000;
	s29 =	sadd.s32 $0x400, s29;
	_ =	swait.ge [sflag:s26], $0x800  }
0x60: {  	[sflag:s26] =	ssyncset.done $0x0  }
0x61: {  	[sflag:s26] =	ssyncadd.s32 $0xFFFFF800  }
0x62: {  	_ =	swait.ge [sflag:s26], $0x800  }
0x63: {  	[sflag:s26] =	ssyncset.done $0x0  }
0x64: {  	[sflag:s26] =	ssyncadd.s32 $0xFFFFF800  }
0x65: {  	_ =	swait.ge [sflag:s26], $0x800  }
0x66: {  	[sflag:s26] =	ssyncset.done $0x0  }
0x67: {  	[sflag:s26] =	ssyncadd.s32 $0xFFFFF800  }
0x68: {  	_ =	swait.ge [sflag:s26], $0x800  }
0x69: {  	[sflag:s26] =	ssyncset.done $0x0  }
0x6a: {  	s1 =	sadd.s32 s31, s12;
	[sflag:s26] =	ssyncadd.s32 $0xFFFFF800  }
0x6b: {  	[tilespmem:s18], [sflag:$0x1] =	stream.linear.gather [hbm4b:s1+s3], $0x800, $0x38;
	[tilespmem:$0x8400] =	vst v63  }
0x6c: {  	s1 =	sadd.s32 s31, s15  }
0x6d: {  	[tilespmem:s19], [sflag:$0x1] =	stream.linear.gather [hbm4b:s1+s3], $0x800, $0x38;
	[tilespmem:$0x8400] =	vst v63  }
0x6e: {  	s1 =	sadd.s32 s31, s14  }
0x6f: {  	[tilespmem:s20], [sflag:$0x1] =	stream.linear.gather [hbm4b:s1+s3], $0x800, $0x38;
	[tilespmem:$0x8400] =	vst v63  }
0x70: {  	s1 =	sadd.s32 s31, s13  }
0x71: {  	[tilespmem:s21], [sflag:$0x1] =	stream.linear.gather [hbm4b:s1+s3], $0x800, $0x38;
	[tilespmem:$0x8400] =	vst v63  }
0x72: {  	_ =	swait.ge [sflag:s22], $0x800  }
0x73: {  	[sflag:s22] =	ssyncset.done $0x0  }
0x74: {  	[sflag:s22] =	ssyncadd.s32 $0xFFFFF800  }
0x75: {  	[spmem:s2] =	stream.indirect.scatter.add.f32 [tilespmem:s18], [sflag:$0x2], $0x10, s30, s23, $0xb8;
	[tilespmem:$0x8400] =	vst v63  }
0x76: {  	_ =	swait.ge [sflag:s22], $0x800  }
0x77: {  	[sflag:s22] =	ssyncset.done $0x0  }
0x78: {  	s1 =	sadd.s32 $0x80, s30;
	[sflag:s22] =	ssyncadd.s32 $0xFFFFF800  }
0x79: {  	[spmem:s2] =	stream.indirect.scatter.add.f32 [tilespmem:s19], [sflag:$0x2], $0x10, s1, s23, $0xb8;
	[tilespmem:$0x8400] =	vst v63  }
0x7a: {  	_ =	swait.ge [sflag:s22], $0x800  }
0x7b: {  	[sflag:s22] =	ssyncset.done $0x0  }
.Ltmp1:
0x7c: {  	s1 =	sadd.s32 $0x100, s30;
	[sflag:s22] =	ssyncadd.s32 $0xFFFFF800;
	(pc) =	sbr.rel @p0 .LBB2_4-.Ltmp1, $4  }
0x7d: {  	[spmem:s2] =	stream.indirect.scatter.add.f32 [tilespmem:s20], [sflag:$0x2], $0x10, s1, s23, $0xb8;
	[tilespmem:$0x8400] =	vst v63  }
0x7e: {  	_ =	swait.ge [sflag:s22], $0x800  }
0x7f: {  	[sflag:s22] =	ssyncset.done $0x0  }
0x80: {  	s31 =	sadd.s32 $0x180, s30;
	s30 =	sadd.s32 $0x200, s30;
	[sflag:s22] =	ssyncadd.s32 $0xFFFFF800  }
0x81: {  	[spmem:s2] =	stream.indirect.scatter.add.f32 [tilespmem:s21], [sflag:$0x2], $0x10, s31, s23, $0xb8;
	[tilespmem:$0x8400] =	vst v63  }
0x82: {  	_ =	swait.ge [sflag:s26], $0x800  }
0x83: {  	[sflag:s26] =	ssyncset.done $0x0  }
0x84: {  	[sflag:s26] =	ssyncadd.s32 $0xFFFFF800  }
0x85: {  	_ =	swait.ge [sflag:s26], $0x800  }
0x86: {  	[sflag:s26] =	ssyncset.done $0x0  }
0x87: {  	[sflag:s26] =	ssyncadd.s32 $0xFFFFF800  }
0x88: {  	_ =	swait.ge [sflag:s26], $0x800  }
0x89: {  	[sflag:s26] =	ssyncset.done $0x0  }
0x8a: {  	[sflag:s26] =	ssyncadd.s32 $0xFFFFF800  }
0x8b: {  	_ =	swait.ge [sflag:s26], $0x800  }
0x8c: {  	[sflag:s26] =	ssyncset.done $0x0  }
0x8d: {  	[sflag:s26] =	ssyncadd.s32 $0xFFFFF800  }
0x8e: {  	[bflag:$0x0] =	sbarrier.arrive $0xFFFF  }
0x8f: {  	[tilespmem:s17], [sflag:$0x3] =	stream.linear.gather [spmem:s5], $0x2800, $0x38;
	[tilespmem:$0x8400] =	vst v63  }
0x90: {  	s28 =	sadd.s32 $0x1, s28;
	_ =	swait.ge [sflag:s16], $0x2800  }
0x91: {  	p0 =	sne.s32 s28, s7;
	[sflag:s16] =	ssyncset.done $0x0  }
.Ltmp2:
0x92: {  	[sflag:s16] =	ssyncadd.s32 $0xFFFFD800;
	(pc) =	sbr.rel @p0 .LBB2_1-.Ltmp2, $4  }
0x93: {  	[hbm4b:s6+s3] =	stream.linear.scatter [tilespmem:s17], [sflag:$0x3], $0x2800, $0x38;
	[tilespmem:$0x8400] =	vst v63  }
0x94: {  	_ =	swait.ge [sflag:s16], $0x2800  }
0x95: {  	[sflag:s16] =	ssyncset.done $0x0  }
0x96: {  	[sflag:s16] =	ssyncadd.s32 $0xFFFFD800  }
0x97: {  	_ =	sfence.sel $0x180000  }
0x98: {  	[bflag:$0x0] =	sbarrier.arrive $0xFFFF  }
0x99: {  	_ =	strace $0x9000004A  }
0x9a: {  	[bflag:$0x2] =	sbarrier.arrive $0xFFFF  }
0x9b: {  	p0 =	sne.s32 s0, $0x0;
	s0 =	rddreg [dreg:$0x2]  }
0x9c: {  	s0 =	sadd.s32 @!p0 $0x100000, s0  }
0x9d: {  	[sflag:s0] =	ssyncadd.tile.s32 @!p0 $0x1;
	_ =	shalt  }
.Lfunc_end2:
_tile_overlayer_lowered:
.L_overlay_start_2:
0x9e: {  	(tag) =	ssettag $0x2  }
0x9f: {  	s0 =	rddreg [dreg:$0x0];
	s2 =	stileid.u32  }
0xa0: {  	s1 =	rddreg [dreg:$0x1];
	p0 =	sne.s32 s2, $0x0  }
0xa1: {  	s3 =	rddreg [dreg:$0x2];
	[bflag:$0x3] =	sbarrier.arrive $0xFFFF;
	s2 =	simm.s32 @!p0 $0x1C03  }
0xa2: {  	[timem:s3], [sflag:s2] =	dma.local @!p0 [hbm:s0], s1  }
0xa3: {  	s0 =	simm.s32 @!p0 $0x3  }
0xa4: {  	_ =	swait.ge @!p0 [sflag:s0], s1  }
0xa5: {  	s1 =	ssub.s32 @!p0 $0x0, s1;
	[sflag:s0] =	ssyncset.done @!p0 $0x0  }
0xa6: {  	[sflag:s0] =	ssyncadd.s32 @!p0 s1  }
0xa7: {  	[bflag:$0x3] =	sbarrier.arrive $0xFFFF  }
0xa8: {  	_ =	shalt  }

// kernel: kernel.16.cloned.1.call-start
scs
__scs_entry_jumppad:
0x0: {  	(pc) =	sbr.rel $0x88, $3  }
0x1: {  	(tag) =	ssettag $0x0;
	lr =	simm.s32 $0x1  }
0x2: {  	[smem:$0x3F92] =	sst lr;
	_ =	strace $0xD0000000  }
0x3: {  	_ = 	snop  }
0x4: {  	_ = 	snop  }
0x5: {  	_ = 	snop  }
0x6: {  	_ = 	snop  }
0x7: {  	_ = 	snop  }
__scs_overlays_trampoline_lowered:
0x8: {  	[smem:$0x3FA1] =	sst s0  }
0x9: {  	[smem:$0x3FA2] =	sst s1  }
0xa: {  	[smem:$0x3FA3] =	sst s2  }
0xb: {  	[smem:$0x3FA4] =	sst s3  }
0xc: {  	[smem:$0x3FA5] =	sst s4  }
0xd: {  	[smem:$0x3FA6] =	sst s5  }
0xe: {  	[smem:$0x3FA7] =	sst s6  }
0xf: {  	[smem:$0x3FA8] =	sst s7  }
0x10: {  	[smem:$0x3FA9] =	sst s8  }
0x11: {  	[smem:$0x3FAA] =	sst s9;
	s0 =	simm.s32 @!p0 $0x0  }
0x12: {  	s1 =	sld [smem:$0x3F90];
	s0 =	simm.s32 @p0 $0x1  }
0x13: {  	[smem:$0x3FAB] =	sst s0;
	s0 =	simm.s32 @!p1 $0x0  }
0x14: {  	s2 =	sld [smem:$0x3F8F];
	s0 =	simm.s32 @p1 $0x1  }
0x15: {  	[smem:$0x3FAC] =	sst s0;
	s0 =	simm.s32 @!p2 $0x0  }
0x16: {  	s3 =	sld [smem:$0x3FDB];
	s0 =	simm.s32 @p2 $0x1  }
0x17: {  	s4 =	simm.s32 $0x1BF5;
	[smem:$0x3FAE] =	sst s0  }
0x18: {  	s0 =	sld [smem:$0x3F91];
	_ =	swait.ge [sflag:s4], $0x0  }
0x19: {  	s7 =	sld [smem:$0x3F92]  }
0x1a: {  	s8 =	sadd.s32 $0xFFFFE003, lr  }
0x1b: {  	s9 =	sadd.s32 $0xFFFFFEF7, lr;
	s5 =	simm.s32 $0xFFFFFFFF;
	p2 =	slt.u32 s8, $0xFFFFF086  }
0x1c: {  	p1 =	slt.u32 s9, $0xF7A;
	s5 =	simm.s32 @!p2 $0x0  }
0x1d: {  	s5 =	simm.s32 @p1 $0x1;
	p0 =	seq.s32 s7, s2  }
0x1e: {  	s7 =	smul.u32 @!p0 $0xF7A, s2;
	p2 =	seq.s32 @!p0 s5, $0x0  }
0x1f: {  	s9 =	smul.u32 $0xF7A, s1;
	s8 =	simm.s32 @!p0 $0x1BF5;
	p2 =	por !p2, p0  }
0x20: {  	[sflag:s8] =	ssyncset.s32 @!p0 $0xFFFFF086;
	s6 =	sadd.s32 @!p0 s3, s7;
	s7 =	simm.s32 @!p0 $0x108  }
0x21: {  	s3 =	sadd.s32 s3, s9;
	s6 =	sadd.s32 @!p0 $0x88, s6;
	s7 =	simm.s32 @p2 $0x1082  }
0x22: {  	[simem:s7], [sflag:s8] =	dma.local @!p0 [hbm:s6], $0xF7A  }
0x23: {  	s9 =	sor.u32 $0xD0000000, s2;
	s6 =	simm.s32 $0x108;
	_ =	swait.ge @!p0 [sflag:s8], $0x0  }
0x24: {  	s3 =	sadd.s32 $0x88, s3;
	s6 =	simm.s32 @!p1 $0x1082;
	[sflag:s4] =	ssyncset.s32 $0xFFFFF086  }
0x25: {  	[simem:s6], [sflag:s4] =	dma.local [hbm:s3], $0xF7A  }
0x26: {  	[smem:$0x3F92] =	sst s1;
	(tag) =	ssettag s2;
	_ =	strace s9  }
0x27: {  	s1 =	sld [smem:$0x3FA2]  }
0x28: {  	s2 =	sld [smem:$0x3FA3]  }
0x29: {  	s4 =	sld [smem:$0x3FA5]  }
0x2a: {  	p0 =	seq.s32 s5, $0x0;
	s5 =	sld [smem:$0x3FA6]  }
0x2b: {  	s6 =	sld [smem:$0x3FA7]  }
0x2c: {  	s7 =	sld [smem:$0x3FA8]  }
0x2d: {  	s3 =	simm.s32 $0x108;
	s8 =	sld [smem:$0x3FA9]  }
0x2e: {  	s3 =	simm.s32 @!p0 $0x1082;
	s9 =	sld [smem:$0x3FAA]  }
0x2f: {  	lr =	sadd.s32 s0, s3;
	s0 =	sld [smem:$0x3FA1]  }
0x30: {  	s3 =	sld [smem:$0x3FA4]  }
0x31: {  	[smem:$0x3FAD] =	sst s10  }
0x32: {  	s10 =	sld [smem:$0x3FAB];
	_ =	sdelay $0x3  }
0x33: {  	p0 =	seq.s32 s10, $0x1;
	s10 =	sld [smem:$0x3FAD];
	_ =	sdelay $0x3  }
0x34: {  	[smem:$0x3FAD] =	sst s10  }
0x35: {  	s10 =	sld [smem:$0x3FAC];
	_ =	sdelay $0x3  }
0x36: {  	p1 =	seq.s32 s10, $0x1;
	s10 =	sld [smem:$0x3FAD];
	_ =	sdelay $0x3  }
0x37: {  	[smem:$0x3FAD] =	sst s10  }
0x38: {  	s10 =	sld [smem:$0x3FAE]  }
0x39: {  	_ = 	snop;
	(pc) =	sbr.ind lr, $3  }
0x3a: {  	_ = 	snop  }
0x3b: {  	_ = 	snop  }
0x3c: {  	p2 =	seq.s32 s10, $0x1;
	s10 =	sld [smem:$0x3FAD]  }
0x3d: {  	_ =	shalt  }
0x3e: {  	_ =	shalt  }
0x3f: {  	_ =	shalt  }
0x40: {  	_ =	shalt  }
0x41: {  	_ =	shalt  }
0x42: {  	_ =	shalt  }
0x43: {  	_ =	shalt  }
0x44: {  	_ =	shalt  }
0x45: {  	_ =	shalt  }
0x46: {  	_ =	shalt  }
0x47: {  	_ =	shalt  }
0x48: {  	_ =	shalt  }
0x49: {  	_ =	shalt  }
0x4a: {  	_ =	shalt  }
0x4b: {  	_ =	shalt  }
0x4c: {  	_ =	shalt  }
0x4d: {  	_ =	shalt  }
0x4e: {  	_ =	shalt  }
0x4f: {  	_ =	shalt  }
0x50: {  	_ =	shalt  }
0x51: {  	_ =	shalt  }
0x52: {  	_ =	shalt  }
0x53: {  	_ =	shalt  }
0x54: {  	_ =	shalt  }
0x55: {  	_ =	shalt  }
0x56: {  	_ =	shalt  }
0x57: {  	_ =	shalt  }
0x58: {  	_ =	shalt  }
0x59: {  	_ =	shalt  }
0x5a: {  	_ =	shalt  }
0x5b: {  	_ =	shalt  }
0x5c: {  	_ =	shalt  }
0x5d: {  	_ =	shalt  }
0x5e: {  	_ =	shalt  }
0x5f: {  	_ =	shalt  }
0x60: {  	_ =	shalt  }
0x61: {  	_ =	shalt  }
0x62: {  	_ =	shalt  }
0x63: {  	_ =	shalt  }
0x64: {  	_ =	shalt  }
0x65: {  	_ =	shalt  }
0x66: {  	_ =	shalt  }
0x67: {  	_ =	shalt  }
0x68: {  	_ =	shalt  }
0x69: {  	_ =	shalt  }
0x6a: {  	_ =	shalt  }
0x6b: {  	_ =	shalt  }
0x6c: {  	_ =	shalt  }
0x6d: {  	_ =	shalt  }
0x6e: {  	_ =	shalt  }
0x6f: {  	_ =	shalt  }
0x70: {  	_ =	shalt  }
0x71: {  	_ =	shalt  }
0x72: {  	_ =	shalt  }
0x73: {  	_ =	shalt  }
0x74: {  	_ =	shalt  }
0x75: {  	_ =	shalt  }
0x76: {  	_ =	shalt  }
0x77: {  	_ =	shalt  }
0x78: {  	_ =	shalt  }
0x79: {  	_ =	shalt  }
0x7a: {  	_ =	shalt  }
0x7b: {  	_ =	shalt  }
0x7c: {  	_ =	shalt  }
0x7d: {  	_ =	shalt  }
0x7e: {  	_ =	shalt  }
0x7f: {  	_ =	shalt  }
0x80: {  	_ =	shalt  }
0x81: {  	_ =	shalt  }
0x82: {  	_ =	shalt  }
0x83: {  	_ =	shalt  }
0x84: {  	_ =	shalt  }
0x85: {  	_ =	shalt  }
0x86: {  	_ =	shalt  }
0x87: {  	_ =	shalt  }
.Lfunc_end0:
.L_simem_size_0:
called_computation.2_lowered:
.L_overlay_start_0:
0x88: {  	s2 =	sld [smem:$0x3FD9]  }
0x89: {  	s3 =	sld [smem:$0x3FFE];
	_ =	sdelay $0x1  }
0x8a: {  	s1 =	srdreg.scid  }
0x8b: {  	s0 =	sand.u32 $0x1, s1  }
0x8c: {  	s16 =	sshll.u32 s0, $0xA;
	s2 =	sadd.s32 s3, s2  }
0x8d: {  	s2 =	sadd.s32 s2, s16  }
0x8e: {  	[smem:$0x3FB9] =	sst s2  }
0x8f: {  	_ = 	snop  }
0x90: {  	(tm) =	ssettm $0x1  }
0x91: {  	s17 =	sld [smem:$0x3FFB];
	_ =	sdelay $0x3  }
0x92: {  	_ =	strace s17  }
0x93: {  	s2 =	sld [smem:$0x3FFC];
	_ =	sdelay $0x3  }
0x94: {  	_ =	strace s2  }
0x95: {  	s2 =	sld [smem:$0x3FFD];
	_ =	sdelay $0x3  }
0x96: {  	_ =	strace s2  }
0x97: {  	_ =	strace $0x8FFFFFFF  }
0x98: {  	s18 =	sld [smem:$0x3FDB];
	_ =	sdelay $0x1  }
0x99: {  	s19 =	simm.s32 $_scs_section_size  }
0x9a: {  	s4 =	simm.s32 $_size__tile_overlayer_lowered;
	s5 =	simm.s32 $_tile_overlayer_lowered  }
0x9b: {  	s22 =	simm.s32 $0x1BFF;
	s21 =	sshll.u32 s5, $0x1;
	s2 =	sadd.s32 s19, s18  }
0x9c: {  	s6 =	simm.s32 $0x0;
	s20 =	sshll.u32 s4, $0x1;
	s4 =	sadd.s32 s21, s2  }
0x9d: {  	[timem:s6], [sflag:s22] =	dma.local [hbm:s4], s20  }
0x9e: {  	_ =	swait.ge [sflag:s22], s20  }
0x9f: {  	s3 =	ssub.s32 $0x0, s20;
	[sflag:s22] =	ssyncset.done $0x0  }
0xa0: {  	[sflag:s22] =	ssyncadd.s32 s3;
	_ =	sdelay $0x1  }
0xa1: {  	s23 =	simm.s32 $0x1B8B  }
0xa2: {  	_ =	swait.ge [sflag:s23], $0x1  }
0xa3: {  	[sflag:s23] =	ssyncset.done $0x0  }
0xa4: {  	s25 =	simm.s32 $0x1B8E;
	s24 =	sld [smem:$0x3FFE];
	[sflag:s23] =	ssyncadd.s32 $0xFFFFFFFF  }
0xa5: {  	s26 =	simm.s32 $execute0_lowered;
	[smem:$0x3FD2] =	sst s25  }
0xa6: {  	s4 =	sshll.u32 s26, $0x1;
	_ =	strace $0x8000004C;
	[dreg:$0x1] =	wrdreg $0xFFFFFFFF  }
0xa7: {  	s28 =	simm.s32 $_size_execute0_lowered;
	s2 =	sadd.s32 s2, s4;
	[dreg:$0x0] =	wrdreg $0x0  }
0xa8: {  	s4 =	sshll.u32 s28, $0x1;
	[dreg:$0x2] =	wrdreg s2  }
0xa9: {  	[dreg:$0x3] =	wrdreg s4  }
0xaa: {  	[dreg:$0x4] =	wrdreg $0xC0  }
0xab: {  	_ =	task [dreg:s6], $0x5FFFF  }
0xac: {  	[dreg:$0x1] =	wrdreg $0xFFFFFFFF  }
0xad: {  	[dreg:$0x0] =	wrdreg $0x60  }
0xae: {  	[dreg:$0x2] =	wrdreg s24  }
0xaf: {  	[dreg:$0x3] =	wrdreg $0x9  }
0xb0: {  	_ =	task.clear_ibuf [dreg:s6], $0x4FFFF;
	_ =	strace $0x9000004C  }
0xb1: {  	s29 =	simm.s32 $0x9;
	_ =	strace $0x8000004E  }
0xb2: {  	_ =	swait.ge [sflag:s29], $0x1  }
0xb3: {  	[sflag:s29] =	ssyncadd.s32 $0xFFFFFFFF  }
0xb4: {  	_ =	strace $0x9000004E  }
0xb5: {  	_ =	sfence  }
0xb6: {  	s30 =	sld [smem:$0x0];
	_ =	sdelay $0x2  }
0xb7: {  	s31 =	sshll.u32 s1, $0xD;
	s1 =	sshrl.u32 s1, $0x2  }
0xb8: {  	s3 =	sand.u32 $0x4000, s31;
	s1 =	sadd.s32 s1, s30  }
0xb9: {  	s0 =	sor.u32 s3, s0;
	s1 =	sshll.u32 s1, $0x11  }
0xba: {  	s0 =	sor.u32 s1, s0  }
0xbb: {  	s0 =	sadd.s32 $0x8F2B, s0  }
0xbc: {  	[sflag:s0] =	ssyncadd.remote.s32 $0x1  }
0xbd: {  	_ =	sfence.sel $0xFFFF  }
0xbe: {  	[dreg:$0x0] =	wrdreg $0xFFFFFFFF;
	(pc) =	sbr.abs _section_cstart, $3  }
0xbf: {  	[dreg:$0x1] =	wrdreg $0xFFFFFFFF  }
0xc0: {  	_ =	task.clear_ibuf [dreg:s6], $0x2FFFF;
	_ =	strace $0x9FFFFFFF  }
0xc1: {  	(tm) =	ssettm $0x7FFFFFFF  }
tec
execute0_lowered:
.L_overlay_start_1:
0x0: {  	(tag) =	ssettag $0x1  }
0x1: {  	s0 =	srdreg.scid;
	s5 =	rddreg [dreg:$0x0]  }
0x2: {  	s2 =	simm.s32 $0x0;
	s8 =	simm.s32 $0x80;
	s4 =	sand.u32 $0x1, s0  }
0x3: {  	s9 =	simm.s32 $0x1;
	s0 =	stileid.u32;
	s1 =	sshll.u32 s4, $0x4  }
0x4: {  	s10 =	simm.s32 $0x1400;
	s11 =	simm.s32 $0x0;
	s3 =	sor.u32 s0, s1  }
0x5: {  	[smem:$0x7FF] =	sst s2;
	s4 =	ssub.s32 $0x2, s4;
	s6 =	smul.u32 $0x280, s3  }
0x6: {  	s1 =	rddreg [dreg:$0x1];
	_ =	strace $0x8000004D;
	s7 =	smul.u32 $0x2800, s3  }
0x7: {  	s31 =	sshrl.u32 s4, $0x1;
	s3 =	sadd.s32 $0x39C00, s5;
	s6 =	sadd.s32 s6, s5  }
0x8: {  	s5 =	sadd.s32 s7, s5;
	s7 =	ssub.s32 s4, s31;
	s4 =	sadd.s32 $0x34C00, s6  }
0x9: {  	s5 =	sadd.s32 $0x3EC00, s5;
	s6 =	smax.u32 s7, $0x1;
	s7 =	simm.s32 $0x2  }
.LBB2_1:
0xa: {  	[tilespmem:s2], [sflag:$0x2] =	stream.linear.gather [hbm4b:s4+s2], $0x1400, $0x38;
	[tilespmem:$0x15400] =	vst v63  }
0xb: {  	_ =	swait.ge [sflag:s7], $0x1400  }
0xc: {  	[sflag:s7] =	ssyncset.done $0x0  }
0xd: {  	s12 =	simm.s32 $0x1400;
	s13 =	simm.s32 $0x0;
	[sflag:s7] =	ssyncadd.s32 $0xFFFFEC00  }
.LBB2_2:
0xe: {  	p0 =	sne.s32 s13, $0x4E00  }
.Ltmp0:
0xf: {  	_ = 	snop;
	(pc) =	sbr.rel @p0 .LBB2_2-.Ltmp0, $4  }
0x10: {  	_ = 	snop  }
0x11: {  	s14 =	sshra.s32 s13, $0x2  }
0x12: {  	[tilespmem:s12], [sflag:$0x1] =	stream.indirect.gather [hbm4b:s3+s8], $0x10, s14, s8, $0xb8;
	[tilespmem:$0x15400] =	vst v63  }
0x13: {  	s13 =	sadd.s32 $0x200, s13;
	s12 =	sadd.s32 $0x800, s12  }
0x14: {  	_ =	swait.ge [sflag:s9], $0x800  }
0x15: {  	s12 =	simm.s32 $0x27;
	[sflag:s9] =	ssyncset.done $0x0  }
.LBB2_4:
0x16: {  	p0 =	sne.s32 s12, $0x1;
	s12 =	sadd.s32 $0xFFFFFFFF, s12;
	[sflag:s9] =	ssyncadd.s32 $0xFFFFF800  }
.Ltmp1:
0x17: {  	(pc) =	sbr.rel @p0 .LBB2_4-.Ltmp1, $3  }
0x18: {  	_ =	sdelay $0x1  }
0x19: {  	_ =	swait.ge [sflag:s9], $0x800  }
0x1a: {  	[sflag:s9] =	ssyncset.done $0x0  }
0x1b: {  	s11 =	sadd.s32 $0x1, s11  }
0x1c: {  	p0 =	sne.s32 s11, s6  }
.Ltmp2:
0x1d: {  	[sflag:s9] =	ssyncadd.s32 $0xFFFFF800;
	(pc) =	sbr.rel @p0 .LBB2_1-.Ltmp2, $4  }
0x1e: {  	[hbm4b:s5+s2] =	stream.linear.scatter [tilespmem:s10], [sflag:$0x2], $0x14000, $0x38;
	[tilespmem:$0x15400] =	vst v63  }
0x1f: {  	_ =	swait.ge [sflag:s7], $0x14000  }
0x20: {  	[sflag:s7] =	ssyncset.done $0x0  }
0x21: {  	[sflag:s7] =	ssyncadd.s32 $0xFFFEC000  }
0x22: {  	_ =	sfence.sel $0x180000  }
0x23: {  	[bflag:$0x0] =	sbarrier.arrive $0xFFFF  }
0x24: {  	p0 =	sne.s32 s0, $0x0;
	_ =	strace $0x9000004D  }
0x25: {  	s0 =	sadd.s32 @!p0 $0x100000, s1;
	[bflag:$0x2] =	sbarrier.arrive $0xFFFF  }
0x26: {  	[sflag:s0] =	ssyncadd.tile.s32 @!p0 $0x1;
	_ =	shalt  }
.Lfunc_end2:
_tile_overlayer_lowered:
.L_overlay_start_2:
0x27: {  	(tag) =	ssettag $0x2  }
0x28: {  	s0 =	rddreg [dreg:$0x0];
	s2 =	stileid.u32  }
0x29: {  	s1 =	rddreg [dreg:$0x1];
	p0 =	sne.s32 s2, $0x0  }
0x2a: {  	s3 =	rddreg [dreg:$0x2];
	[bflag:$0x3] =	sbarrier.arrive $0xFFFF;
	s2 =	simm.s32 @!p0 $0x1C02  }
0x2b: {  	[timem:s3], [sflag:s2] =	dma.local @!p0 [hbm:s0], s1  }
0x2c: {  	s0 =	simm.s32 @!p0 $0x2  }
0x2d: {  	_ =	swait.ge @!p0 [sflag:s0], s1  }
0x2e: {  	s1 =	ssub.s32 @!p0 $0x0, s1;
	[sflag:s0] =	ssyncset.done @!p0 $0x0  }
0x2f: {  	[sflag:s0] =	ssyncadd.s32 @!p0 s1  }
0x30: {  	[bflag:$0x3] =	sbarrier.arrive $0xFFFF  }
0x31: {  	_ =	shalt  }

// kernel: kernel.19.cloned.1.call-start
scs
__scs_entry_jumppad:
0x0: {  	(pc) =	sbr.rel $0x88, $3  }
0x1: {  	(tag) =	ssettag $0x0;
	lr =	simm.s32 $0x1  }
0x2: {  	[smem:$0x3F92] =	sst lr;
	_ =	strace $0xD0000000  }
0x3: {  	_ = 	snop  }
0x4: {  	_ = 	snop  }
0x5: {  	_ = 	snop  }
0x6: {  	_ = 	snop  }
0x7: {  	_ = 	snop  }
__scs_overlays_trampoline_lowered:
0x8: {  	[smem:$0x3FA1] =	sst s0  }
0x9: {  	[smem:$0x3FA2] =	sst s1  }
0xa: {  	[smem:$0x3FA3] =	sst s2  }
0xb: {  	[smem:$0x3FA4] =	sst s3  }
0xc: {  	[smem:$0x3FA5] =	sst s4  }
0xd: {  	[smem:$0x3FA6] =	sst s5  }
0xe: {  	[smem:$0x3FA7] =	sst s6  }
0xf: {  	[smem:$0x3FA8] =	sst s7  }
0x10: {  	[smem:$0x3FA9] =	sst s8  }
0x11: {  	[smem:$0x3FAA] =	sst s9;
	s0 =	simm.s32 @!p0 $0x0  }
0x12: {  	s1 =	sld [smem:$0x3F90];
	s0 =	simm.s32 @p0 $0x1  }
0x13: {  	[smem:$0x3FAB] =	sst s0;
	s0 =	simm.s32 @!p1 $0x0  }
0x14: {  	s2 =	sld [smem:$0x3F8F];
	s0 =	simm.s32 @p1 $0x1  }
0x15: {  	[smem:$0x3FAC] =	sst s0;
	s0 =	simm.s32 @!p2 $0x0  }
0x16: {  	s3 =	sld [smem:$0x3FDB];
	s0 =	simm.s32 @p2 $0x1  }
0x17: {  	s4 =	simm.s32 $0x1BF5;
	[smem:$0x3FAE] =	sst s0  }
0x18: {  	s0 =	sld [smem:$0x3F91];
	_ =	swait.ge [sflag:s4], $0x0  }
0x19: {  	s7 =	sld [smem:$0x3F92]  }
0x1a: {  	s8 =	sadd.s32 $0xFFFFE003, lr  }
0x1b: {  	s9 =	sadd.s32 $0xFFFFFEF7, lr;
	s5 =	simm.s32 $0xFFFFFFFF;
	p2 =	slt.u32 s8, $0xFFFFF086  }
0x1c: {  	p1 =	slt.u32 s9, $0xF7A;
	s5 =	simm.s32 @!p2 $0x0  }
0x1d: {  	s5 =	simm.s32 @p1 $0x1;
	p0 =	seq.s32 s7, s2  }
0x1e: {  	s7 =	smul.u32 @!p0 $0xF7A, s2;
	p2 =	seq.s32 @!p0 s5, $0x0  }
0x1f: {  	s9 =	smul.u32 $0xF7A, s1;
	s8 =	simm.s32 @!p0 $0x1BF5;
	p2 =	por !p2, p0  }
0x20: {  	[sflag:s8] =	ssyncset.s32 @!p0 $0xFFFFF086;
	s6 =	sadd.s32 @!p0 s3, s7;
	s7 =	simm.s32 @!p0 $0x108  }
0x21: {  	s3 =	sadd.s32 s3, s9;
	s6 =	sadd.s32 @!p0 $0x88, s6;
	s7 =	simm.s32 @p2 $0x1082  }
0x22: {  	[simem:s7], [sflag:s8] =	dma.local @!p0 [hbm:s6], $0xF7A  }
0x23: {  	s9 =	sor.u32 $0xD0000000, s2;
	s6 =	simm.s32 $0x108;
	_ =	swait.ge @!p0 [sflag:s8], $0x0  }
0x24: {  	s3 =	sadd.s32 $0x88, s3;
	s6 =	simm.s32 @!p1 $0x1082;
	[sflag:s4] =	ssyncset.s32 $0xFFFFF086  }
0x25: {  	[simem:s6], [sflag:s4] =	dma.local [hbm:s3], $0xF7A  }
0x26: {  	[smem:$0x3F92] =	sst s1;
	(tag) =	ssettag s2;
	_ =	strace s9  }
0x27: {  	s1 =	sld [smem:$0x3FA2]  }
0x28: {  	s2 =	sld [smem:$0x3FA3]  }
0x29: {  	s4 =	sld [smem:$0x3FA5]  }
0x2a: {  	p0 =	seq.s32 s5, $0x0;
	s5 =	sld [smem:$0x3FA6]  }
0x2b: {  	s6 =	sld [smem:$0x3FA7]  }
0x2c: {  	s7 =	sld [smem:$0x3FA8]  }
0x2d: {  	s3 =	simm.s32 $0x108;
	s8 =	sld [smem:$0x3FA9]  }
0x2e: {  	s3 =	simm.s32 @!p0 $0x1082;
	s9 =	sld [smem:$0x3FAA]  }
0x2f: {  	lr =	sadd.s32 s0, s3;
	s0 =	sld [smem:$0x3FA1]  }
0x30: {  	s3 =	sld [smem:$0x3FA4]  }
0x31: {  	[smem:$0x3FAD] =	sst s10  }
0x32: {  	s10 =	sld [smem:$0x3FAB];
	_ =	sdelay $0x3  }
0x33: {  	p0 =	seq.s32 s10, $0x1;
	s10 =	sld [smem:$0x3FAD];
	_ =	sdelay $0x3  }
0x34: {  	[smem:$0x3FAD] =	sst s10  }
0x35: {  	s10 =	sld [smem:$0x3FAC];
	_ =	sdelay $0x3  }
0x36: {  	p1 =	seq.s32 s10, $0x1;
	s10 =	sld [smem:$0x3FAD];
	_ =	sdelay $0x3  }
0x37: {  	[smem:$0x3FAD] =	sst s10  }
0x38: {  	s10 =	sld [smem:$0x3FAE]  }
0x39: {  	_ = 	snop;
	(pc) =	sbr.ind lr, $3  }
0x3a: {  	_ = 	snop  }
0x3b: {  	_ = 	snop  }
0x3c: {  	p2 =	seq.s32 s10, $0x1;
	s10 =	sld [smem:$0x3FAD]  }
0x3d: {  	_ =	shalt  }
0x3e: {  	_ =	shalt  }
0x3f: {  	_ =	shalt  }
0x40: {  	_ =	shalt  }
0x41: {  	_ =	shalt  }
0x42: {  	_ =	shalt  }
0x43: {  	_ =	shalt  }
0x44: {  	_ =	shalt  }
0x45: {  	_ =	shalt  }
0x46: {  	_ =	shalt  }
0x47: {  	_ =	shalt  }
0x48: {  	_ =	shalt  }
0x49: {  	_ =	shalt  }
0x4a: {  	_ =	shalt  }
0x4b: {  	_ =	shalt  }
0x4c: {  	_ =	shalt  }
0x4d: {  	_ =	shalt  }
0x4e: {  	_ =	shalt  }
0x4f: {  	_ =	shalt  }
0x50: {  	_ =	shalt  }
0x51: {  	_ =	shalt  }
0x52: {  	_ =	shalt  }
0x53: {  	_ =	shalt  }
0x54: {  	_ =	shalt  }
0x55: {  	_ =	shalt  }
0x56: {  	_ =	shalt  }
0x57: {  	_ =	shalt  }
0x58: {  	_ =	shalt  }
0x59: {  	_ =	shalt  }
0x5a: {  	_ =	shalt  }
0x5b: {  	_ =	shalt  }
0x5c: {  	_ =	shalt  }
0x5d: {  	_ =	shalt  }
0x5e: {  	_ =	shalt  }
0x5f: {  	_ =	shalt  }
0x60: {  	_ =	shalt  }
0x61: {  	_ =	shalt  }
0x62: {  	_ =	shalt  }
0x63: {  	_ =	shalt  }
0x64: {  	_ =	shalt  }
0x65: {  	_ =	shalt  }
0x66: {  	_ =	shalt  }
0x67: {  	_ =	shalt  }
0x68: {  	_ =	shalt  }
0x69: {  	_ =	shalt  }
0x6a: {  	_ =	shalt  }
0x6b: {  	_ =	shalt  }
0x6c: {  	_ =	shalt  }
0x6d: {  	_ =	shalt  }
0x6e: {  	_ =	shalt  }
0x6f: {  	_ =	shalt  }
0x70: {  	_ =	shalt  }
0x71: {  	_ =	shalt  }
0x72: {  	_ =	shalt  }
0x73: {  	_ =	shalt  }
0x74: {  	_ =	shalt  }
0x75: {  	_ =	shalt  }
0x76: {  	_ =	shalt  }
0x77: {  	_ =	shalt  }
0x78: {  	_ =	shalt  }
0x79: {  	_ =	shalt  }
0x7a: {  	_ =	shalt  }
0x7b: {  	_ =	shalt  }
0x7c: {  	_ =	shalt  }
0x7d: {  	_ =	shalt  }
0x7e: {  	_ =	shalt  }
0x7f: {  	_ =	shalt  }
0x80: {  	_ =	shalt  }
0x81: {  	_ =	shalt  }
0x82: {  	_ =	shalt  }
0x83: {  	_ =	shalt  }
0x84: {  	_ =	shalt  }
0x85: {  	_ =	shalt  }
0x86: {  	_ =	shalt  }
0x87: {  	_ =	shalt  }
.Lfunc_end0:
.L_simem_size_0:
called_computation.3_lowered:
.L_overlay_start_0:
0x88: {  	s2 =	sld [smem:$0x3FD9]  }
0x89: {  	s3 =	sld [smem:$0x3FFE];
	_ =	sdelay $0x1  }
0x8a: {  	s1 =	srdreg.scid  }
0x8b: {  	s0 =	sand.u32 $0x1, s1  }
0x8c: {  	s16 =	sshll.u32 s0, $0xA;
	s2 =	sadd.s32 s3, s2  }
0x8d: {  	s2 =	sadd.s32 s2, s16  }
0x8e: {  	[smem:$0x3FB9] =	sst s2  }
0x8f: {  	_ = 	snop  }
0x90: {  	(tm) =	ssettm $0x1  }
0x91: {  	s17 =	sld [smem:$0x3FFB];
	_ =	sdelay $0x3  }
0x92: {  	_ =	strace s17  }
0x93: {  	s2 =	sld [smem:$0x3FFC];
	_ =	sdelay $0x3  }
0x94: {  	_ =	strace s2  }
0x95: {  	s2 =	sld [smem:$0x3FFD];
	_ =	sdelay $0x3  }
0x96: {  	_ =	strace s2  }
0x97: {  	_ =	strace $0x8FFFFFFF  }
0x98: {  	s18 =	sld [smem:$0x3FDB];
	_ =	sdelay $0x1  }
0x99: {  	s19 =	simm.s32 $_scs_section_size  }
0x9a: {  	s4 =	simm.s32 $_size__tile_overlayer_lowered;
	s5 =	simm.s32 $_tile_overlayer_lowered  }
0x9b: {  	s22 =	simm.s32 $0x1BFF;
	s21 =	sshll.u32 s5, $0x1;
	s2 =	sadd.s32 s19, s18  }
0x9c: {  	s6 =	simm.s32 $0x0;
	s20 =	sshll.u32 s4, $0x1;
	s4 =	sadd.s32 s21, s2  }
0x9d: {  	[timem:s6], [sflag:s22] =	dma.local [hbm:s4], s20  }
0x9e: {  	_ =	swait.ge [sflag:s22], s20  }
0x9f: {  	s3 =	ssub.s32 $0x0, s20;
	[sflag:s22] =	ssyncset.done $0x0  }
0xa0: {  	[sflag:s22] =	ssyncadd.s32 s3;
	_ =	sdelay $0x1  }
0xa1: {  	s23 =	simm.s32 $0x1B8B  }
0xa2: {  	_ =	swait.ge [sflag:s23], $0x1  }
0xa3: {  	[sflag:s23] =	ssyncset.done $0x0  }
0xa4: {  	s25 =	simm.s32 $0x1B8E;
	s24 =	sld [smem:$0x3FFE];
	[sflag:s23] =	ssyncadd.s32 $0xFFFFFFFF  }
0xa5: {  	s26 =	simm.s32 $execute0_lowered;
	[smem:$0x3FD2] =	sst s25  }
0xa6: {  	s4 =	sshll.u32 s26, $0x1;
	_ =	strace $0x8000004F;
	[dreg:$0x1] =	wrdreg $0xFFFFFFFF  }
0xa7: {  	s28 =	simm.s32 $_size_execute0_lowered;
	s2 =	sadd.s32 s2, s4;
	[dreg:$0x0] =	wrdreg $0x0  }
0xa8: {  	s4 =	sshll.u32 s28, $0x1;
	[dreg:$0x2] =	wrdreg s2  }
0xa9: {  	[dreg:$0x3] =	wrdreg s4  }
0xaa: {  	[dreg:$0x4] =	wrdreg $0xC0  }
0xab: {  	_ =	task [dreg:s6], $0x5FFFF  }
0xac: {  	[dreg:$0x1] =	wrdreg $0xFFFFFFFF  }
0xad: {  	[dreg:$0x0] =	wrdreg $0x60  }
0xae: {  	[dreg:$0x2] =	wrdreg s24  }
0xaf: {  	[dreg:$0x3] =	wrdreg $0x5C000  }
0xb0: {  	[dreg:$0x4] =	wrdreg $0x9  }
0xb1: {  	_ =	task.clear_ibuf [dreg:s6], $0x5FFFF;
	_ =	strace $0x9000004F  }
0xb2: {  	s29 =	simm.s32 $0x9;
	_ =	strace $0x80000051  }
0xb3: {  	_ =	swait.ge [sflag:s29], $0x1  }
0xb4: {  	[sflag:s29] =	ssyncadd.s32 $0xFFFFFFFF  }
0xb5: {  	_ =	strace $0x90000051  }
0xb6: {  	_ =	sfence  }
0xb7: {  	s30 =	sld [smem:$0x0];
	_ =	sdelay $0x2  }
0xb8: {  	s31 =	sshll.u32 s1, $0xD;
	s1 =	sshrl.u32 s1, $0x2  }
0xb9: {  	s3 =	sand.u32 $0x4000, s31;
	s1 =	sadd.s32 s1, s30  }
0xba: {  	s0 =	sor.u32 s3, s0;
	s1 =	sshll.u32 s1, $0x11  }
0xbb: {  	s0 =	sor.u32 s1, s0  }
0xbc: {  	s0 =	sadd.s32 $0x8F2B, s0  }
0xbd: {  	[sflag:s0] =	ssyncadd.remote.s32 $0x1  }
0xbe: {  	_ =	sfence.sel $0xFFFF  }
0xbf: {  	[dreg:$0x0] =	wrdreg $0xFFFFFFFF;
	(pc) =	sbr.abs _section_cstart, $3  }
0xc0: {  	[dreg:$0x1] =	wrdreg $0xFFFFFFFF  }
0xc1: {  	_ =	task.clear_ibuf [dreg:s6], $0x2FFFF;
	_ =	strace $0x9FFFFFFF  }
0xc2: {  	(tm) =	ssettm $0x7FFFFFFF  }
0xc3: {  	_ =	shalt  }
tec
execute0_lowered:
.L_overlay_start_1:
0x0: {  	(tag) =	ssettag $0x1  }
0x1: {  	s0 =	srdreg.scid  }
0x2: {  	s4 =	rddreg [dreg:$0x0];
	s7 =	sand.u32 $0x1, s0;
	s0 =	stileid.u32  }
0x3: {  	s2 =	rddreg [dreg:$0x1];
	s8 =	smul.u32 $0x2800, s0  }
0x4: {  	s3 =	simm.s32 $0x0;
	s17 =	simm.s32 $0x3400;
	s9 =	smul.u32 $0x28000, s7  }
0x5: {  	s18 =	simm.s32 $0x1400;
	s19 =	simm.s32 $0x1C00;
	s14 =	smul.u32 $0x140000, s7  }
0x6: {  	s20 =	simm.s32 $0x2400;
	s21 =	simm.s32 $0x2C00;
	s15 =	smul.u32 $0x14000, s0  }
0x7: {  	s22 =	simm.s32 $0x1;
	s1 =	sshll.u32 s7, $0x4;
	s16 =	smul.u32 $0x14000, s7  }
0x8: {  	s28 =	simm.s32 $0x0;
	s25 =	smul.u32 $0x1400, s0;
	s5 =	sor.u32 s0, s1  }
0x9: {  	[smem:$0x7FF] =	sst s3;
	s13 =	sadd.s32 $0x34C00, s4;
	s6 =	smul.u32 $0x1400, s5  }
0xa: {  	_ =	strace $0x80000050;
	s11 =	ssub.s32 $0x2, s7;
	s10 =	smul.u32 $0x14000, s5  }
0xb: {  	s23 =	sshrl.u32 s11, $0x1;
	s9 =	sadd.s32 s8, s9;
	s12 =	smul.u32 $0x2800, s5  }
0xc: {  	s11 =	ssub.s32 s11, s23;
	s5 =	sadd.s32 s8, s2;
	s29 =	sadd.s32 s15, s14  }
0xd: {  	s30 =	sadd.s32 s25, s16;
	s16 =	simm.s32 $0x3;
	s23 =	simm.s32 $0x80  }
0xe: {  	s25 =	simm.s32 $0x180;
	s9 =	sshrl.u32 s9, $0x3;
	s7 =	smax.u32 s11, $0x1  }
0xf: {  	s14 =	sshll.u32 s30, $0x1;
	s6 =	sshrl.u32 s6, $0x3;
	s9 =	sadd.s32 s9, s4  }
0x10: {  	s24 =	sshrl.u32 s10, $0x3;
	s26 =	sadd.s32 s12, s13;
	s12 =	sor.u32 $0x2000, s29  }
0x11: {  	s31 =	sadd.s32 s14, s13;
	s6 =	sadd.s32 s6, s4;
	s8 =	sadd.s32 s13, s24  }
0x12: {  	s10 =	sadd.s32 $0x200, s26;
	s12 =	sshrl.u32 s12, $0x3;
	s11 =	sadd.s32 $0x300, s26  }
0x13: {  	s14 =	sadd.s32 $0x600, s31;
	s15 =	sadd.s32 $0x500, s31;
	s24 =	simm.s32 $0x100  }
0x14: {  	s4 =	sadd.s32 $0x2FC00, s6;
	s6 =	sadd.s32 $0x84C00, s9;
	s9 =	sadd.s32 $0x100, s26  }
0x15: {  	v0 =	vimm.f32 $0.0e+00;
	s12 =	sadd.s32 s12, s13;
	s13 =	sadd.s32 $0x700, s31;
	s26 =	simm.s32 $0x2  }
.LBB2_1:
0x16: {  	[tilespmem:s3], [sflag:$0x3] =	stream.linear.gather [hbm4b:s4+s3], $0x1400, $0x38;
	[tilespmem:$0x8400] =	vst v63  }
0x17: {  	_ =	swait.ge [sflag:s16], $0x1400  }
0x18: {  	[sflag:s16] =	ssyncset.done $0x0  }
0x19: {  	s29 =	simm.s32 $0x40;
	s30 =	simm.s32 $0x0;
	[sflag:s16] =	ssyncadd.s32 $0xFFFFEC00  }
.LBB2_2:
0x1a: {  	p0 =	sne.s32 s29, $0x9FC0;
	[tilespmem:s30+$0x3400] =	vst v0;
	s30 =	smov.u32 s29;
	s29 =	sadd.s32 $0x40, s29  }
.Ltmp0:
0x1b: {  	(pc) =	sbr.rel @p0 .LBB2_2-.Ltmp0, $2  }
0x1c: {  	_ =	sdelay $0x2  }
0x1d: {  	s30 =	sshra.s32 s30, $0x2  }
0x1e: {  	[tilespmem:s30+$0x3400] =	vst v0  }
0x1f: {  	[spmem:s5] =	stream.linear.scatter [tilespmem:s17], [sflag:$0x3], $0x2800, $0x38;
	[tilespmem:$0x8400] =	vst v63  }
0x20: {  	_ =	swait.ge [sflag:s16], $0x2800  }
0x21: {  	[sflag:s16] =	ssyncset.done $0x0  }
0x22: {  	[sflag:s16] =	ssyncadd.s32 $0xFFFFD800  }
0x23: {  	s29 =	simm.s32 $0x0;
	[bflag:$0x0] =	sbarrier.arrive $0xFFFF  }
0x24: {  	[tilespmem:s18], [sflag:$0x1] =	stream.linear.gather [hbm4b:s8+s29], $0x800, $0x38;
	[tilespmem:$0x8400] =	vst v63  }
0x25: {  	_ = 	snop  }
0x26: {  	[tilespmem:s19], [sflag:$0x1] =	stream.linear.gather [hbm4b:s9+s29], $0x800, $0x38;
	[tilespmem:$0x8400] =	vst v63  }
0x27: {  	_ = 	snop  }
0x28: {  	[tilespmem:s20], [sflag:$0x1] =	stream.linear.gather [hbm4b:s10+s29], $0x800, $0x38;
	[tilespmem:$0x8400] =	vst v63  }
0x29: {  	_ = 	snop  }
0x2a: {  	[tilespmem:s21], [sflag:$0x1] =	stream.linear.gather [hbm4b:s11+s29], $0x800, $0x38;
	[tilespmem:$0x8400] =	vst v63  }
0x2b: {  	_ =	swait.ge [sflag:s22], $0x800  }
0x2c: {  	[sflag:s22] =	ssyncset.done $0x0  }
0x2d: {  	[sflag:s22] =	ssyncadd.s32 $0xFFFFF800  }
0x2e: {  	[spmem:s2] =	stream.indirect.scatter.add.f32 [tilespmem:s18], [sflag:$0x2], $0x10, s29, s23, $0xb8;
	[tilespmem:$0x8400] =	vst v63  }
0x2f: {  	_ =	swait.ge [sflag:s22], $0x800  }
0x30: {  	[sflag:s22] =	ssyncset.done $0x0  }
0x31: {  	[sflag:s22] =	ssyncadd.s32 $0xFFFFF800  }
0x32: {  	[spmem:s2] =	stream.indirect.scatter.add.f32 [tilespmem:s19], [sflag:$0x2], $0x10, s23, s23, $0xb8;
	[tilespmem:$0x8400] =	vst v63  }
0x33: {  	_ =	swait.ge [sflag:s22], $0x800  }
0x34: {  	[sflag:s22] =	ssyncset.done $0x0  }
0x35: {  	[sflag:s22] =	ssyncadd.s32 $0xFFFFF800  }
0x36: {  	[spmem:s2] =	stream.indirect.scatter.add.f32 [tilespmem:s20], [sflag:$0x2], $0x10, s24, s23, $0xb8;
	[tilespmem:$0x8400] =	vst v63  }
0x37: {  	_ =	swait.ge [sflag:s22], $0x800  }
0x38: {  	[sflag:s22] =	ssyncset.done $0x0  }
0x39: {  	[sflag:s22] =	ssyncadd.s32 $0xFFFFF800  }
0x3a: {  	[spmem:s2] =	stream.indirect.scatter.add.f32 [tilespmem:s21], [sflag:$0x2], $0x10, s25, s23, $0xb8;
	[tilespmem:$0x8400] =	vst v63  }
0x3b: {  	_ =	swait.ge [sflag:s26], $0x800  }
0x3c: {  	[sflag:s26] =	ssyncset.done $0x0  }
0x3d: {  	[sflag:s26] =	ssyncadd.s32 $0xFFFFF800  }
0x3e: {  	_ =	swait.ge [sflag:s26], $0x800  }
0x3f: {  	[sflag:s26] =	ssyncset.done $0x0  }
0x40: {  	[sflag:s26] =	ssyncadd.s32 $0xFFFFF800  }
0x41: {  	_ =	swait.ge [sflag:s26], $0x800  }
0x42: {  	[sflag:s26] =	ssyncset.done $0x0  }
0x43: {  	[sflag:s26] =	ssyncadd.s32 $0xFFFFF800  }
0x44: {  	_ =	swait.ge [sflag:s26], $0x800  }
0x45: {  	[sflag:s26] =	ssyncset.done $0x0  }
0x46: {  	s29 =	sadd.s32 $0x0, s12;
	[sflag:s26] =	ssyncadd.s32 $0xFFFFF800  }
0x47: {  	[tilespmem:s18], [sflag:$0x1] =	stream.linear.gather [hbm4b:s29+s3], $0x800, $0x38;
	[tilespmem:$0x8400] =	vst v63  }
0x48: {  	s29 =	sadd.s32 $0x0, s15  }
0x49: {  	[tilespmem:s19], [sflag:$0x1] =	stream.linear.gather [hbm4b:s29+s3], $0x800, $0x38;
	[tilespmem:$0x8400] =	vst v63  }
0x4a: {  	s29 =	sadd.s32 $0x0, s14  }
0x4b: {  	[tilespmem:s20], [sflag:$0x1] =	stream.linear.gather [hbm4b:s29+s3], $0x800, $0x38;
	[tilespmem:$0x8400] =	vst v63  }
0x4c: {  	s29 =	sadd.s32 $0x0, s13  }
0x4d: {  	[tilespmem:s21], [sflag:$0x1] =	stream.linear.gather [hbm4b:s29+s3], $0x800, $0x38;
	[tilespmem:$0x8400] =	vst v63  }
0x4e: {  	_ =	swait.ge [sflag:s22], $0x800  }
0x4f: {  	[sflag:s22] =	ssyncset.done $0x0  }
0x50: {  	s29 =	simm.s32 $0x200;
	[sflag:s22] =	ssyncadd.s32 $0xFFFFF800  }
0x51: {  	[spmem:s2] =	stream.indirect.scatter.add.f32 [tilespmem:s18], [sflag:$0x2], $0x10, s29, s23, $0xb8;
	[tilespmem:$0x8400] =	vst v63  }
0x52: {  	_ =	swait.ge [sflag:s22], $0x800  }
0x53: {  	[sflag:s22] =	ssyncset.done $0x0  }
0x54: {  	s29 =	simm.s32 $0x280;
	[sflag:s22] =	ssyncadd.s32 $0xFFFFF800  }
0x55: {  	[spmem:s2] =	stream.indirect.scatter.add.f32 [tilespmem:s19], [sflag:$0x2], $0x10, s29, s23, $0xb8;
	[tilespmem:$0x8400] =	vst v63  }
0x56: {  	_ =	swait.ge [sflag:s22], $0x800  }
0x57: {  	[sflag:s22] =	ssyncset.done $0x0  }
0x58: {  	s29 =	simm.s32 $0x300;
	[sflag:s22] =	ssyncadd.s32 $0xFFFFF800  }
0x59: {  	[spmem:s2] =	stream.indirect.scatter.add.f32 [tilespmem:s20], [sflag:$0x2], $0x10, s29, s23, $0xb8;
	[tilespmem:$0x8400] =	vst v63  }
0x5a: {  	_ =	swait.ge [sflag:s22], $0x800  }
0x5b: {  	s31 =	simm.s32 $0x380;
	[sflag:s22] =	ssyncset.done $0x0  }
0x5c: {  	s30 =	simm.s32 $0x400;
	s29 =	simm.s32 $0x400;
	[sflag:s22] =	ssyncadd.s32 $0xFFFFF800  }
.LBB2_4:
0x5d: {  	[spmem:s2] =	stream.indirect.scatter.add.f32 [tilespmem:s21], [sflag:$0x2], $0x10, s31, s23, $0xb8;
	[tilespmem:$0x8400] =	vst v63  }
0x5e: {  	s31 =	smov.u32 s29  }
0x5f: {  	p0 =	sne.s32 s29, $0x2000;
	s29 =	sadd.s32 $0x400, s29;
	_ =	swait.ge [sflag:s26], $0x800  }
0x60: {  	[sflag:s26] =	ssyncset.done $0x0  }
0x61: {  	[sflag:s26] =	ssyncadd.s32 $0xFFFFF800  }
0x62: {  	_ =	swait.ge [sflag:s26], $0x800  }
0x63: {  	[sflag:s26] =	ssyncset.done $0x0  }
0x64: {  	[sflag:s26] =	ssyncadd.s32 $0xFFFFF800  }
0x65: {  	_ =	swait.ge [sflag:s26], $0x800  }
0x66: {  	[sflag:s26] =	ssyncset.done $0x0  }
0x67: {  	[sflag:s26] =	ssyncadd.s32 $0xFFFFF800  }
0x68: {  	_ =	swait.ge [sflag:s26], $0x800  }
0x69: {  	[sflag:s26] =	ssyncset.done $0x0  }
0x6a: {  	s1 =	sadd.s32 s31, s12;
	[sflag:s26] =	ssyncadd.s32 $0xFFFFF800  }
0x6b: {  	[tilespmem:s18], [sflag:$0x1] =	stream.linear.gather [hbm4b:s1+s3], $0x800, $0x38;
	[tilespmem:$0x8400] =	vst v63  }
0x6c: {  	s1 =	sadd.s32 s31, s15  }
0x6d: {  	[tilespmem:s19], [sflag:$0x1] =	stream.linear.gather [hbm4b:s1+s3], $0x800, $0x38;
	[tilespmem:$0x8400] =	vst v63  }
0x6e: {  	s1 =	sadd.s32 s31, s14  }
0x6f: {  	[tilespmem:s20], [sflag:$0x1] =	stream.linear.gather [hbm4b:s1+s3], $0x800, $0x38;
	[tilespmem:$0x8400] =	vst v63  }
0x70: {  	s1 =	sadd.s32 s31, s13  }
0x71: {  	[tilespmem:s21], [sflag:$0x1] =	stream.linear.gather [hbm4b:s1+s3], $0x800, $0x38;
	[tilespmem:$0x8400] =	vst v63  }
0x72: {  	_ =	swait.ge [sflag:s22], $0x800  }
0x73: {  	[sflag:s22] =	ssyncset.done $0x0  }
0x74: {  	[sflag:s22] =	ssyncadd.s32 $0xFFFFF800  }
0x75: {  	[spmem:s2] =	stream.indirect.scatter.add.f32 [tilespmem:s18], [sflag:$0x2], $0x10, s30, s23, $0xb8;
	[tilespmem:$0x8400] =	vst v63  }
0x76: {  	_ =	swait.ge [sflag:s22], $0x800  }
0x77: {  	[sflag:s22] =	ssyncset.done $0x0  }
0x78: {  	s1 =	sadd.s32 $0x80, s30;
	[sflag:s22] =	ssyncadd.s32 $0xFFFFF800  }
0x79: {  	[spmem:s2] =	stream.indirect.scatter.add.f32 [tilespmem:s19], [sflag:$0x2], $0x10, s1, s23, $0xb8;
	[tilespmem:$0x8400] =	vst v63  }
0x7a: {  	_ =	swait.ge [sflag:s22], $0x800  }
0x7b: {  	[sflag:s22] =	ssyncset.done $0x0  }
.Ltmp1:
0x7c: {  	s1 =	sadd.s32 $0x100, s30;
	[sflag:s22] =	ssyncadd.s32 $0xFFFFF800;
	(pc) =	sbr.rel @p0 .LBB2_4-.Ltmp1, $4  }
0x7d: {  	[spmem:s2] =	stream.indirect.scatter.add.f32 [tilespmem:s20], [sflag:$0x2], $0x10, s1, s23, $0xb8;
	[tilespmem:$0x8400] =	vst v63  }
0x7e: {  	_ =	swait.ge [sflag:s22], $0x800  }
0x7f: {  	[sflag:s22] =	ssyncset.done $0x0  }
0x80: {  	s31 =	sadd.s32 $0x180, s30;
	s30 =	sadd.s32 $0x200, s30;
	[sflag:s22] =	ssyncadd.s32 $0xFFFFF800  }
0x81: {  	[spmem:s2] =	stream.indirect.scatter.add.f32 [tilespmem:s21], [sflag:$0x2], $0x10, s31, s23, $0xb8;
	[tilespmem:$0x8400] =	vst v63  }
0x82: {  	_ =	swait.ge [sflag:s26], $0x800  }
0x83: {  	[sflag:s26] =	ssyncset.done $0x0  }
0x84: {  	[sflag:s26] =	ssyncadd.s32 $0xFFFFF800  }
0x85: {  	_ =	swait.ge [sflag:s26], $0x800  }
0x86: {  	[sflag:s26] =	ssyncset.done $0x0  }
0x87: {  	[sflag:s26] =	ssyncadd.s32 $0xFFFFF800  }
0x88: {  	_ =	swait.ge [sflag:s26], $0x800  }
0x89: {  	[sflag:s26] =	ssyncset.done $0x0  }
0x8a: {  	[sflag:s26] =	ssyncadd.s32 $0xFFFFF800  }
0x8b: {  	_ =	swait.ge [sflag:s26], $0x800  }
0x8c: {  	[sflag:s26] =	ssyncset.done $0x0  }
0x8d: {  	[sflag:s26] =	ssyncadd.s32 $0xFFFFF800  }
0x8e: {  	[bflag:$0x0] =	sbarrier.arrive $0xFFFF  }
0x8f: {  	[tilespmem:s17], [sflag:$0x3] =	stream.linear.gather [spmem:s5], $0x2800, $0x38;
	[tilespmem:$0x8400] =	vst v63  }
0x90: {  	s28 =	sadd.s32 $0x1, s28;
	_ =	swait.ge [sflag:s16], $0x2800  }
0x91: {  	p0 =	sne.s32 s28, s7;
	[sflag:s16] =	ssyncset.done $0x0  }
.Ltmp2:
0x92: {  	[sflag:s16] =	ssyncadd.s32 $0xFFFFD800;
	(pc) =	sbr.rel @p0 .LBB2_1-.Ltmp2, $4  }
0x93: {  	[hbm4b:s6+s3] =	stream.linear.scatter [tilespmem:s17], [sflag:$0x3], $0x2800, $0x38;
	[tilespmem:$0x8400] =	vst v63  }
0x94: {  	_ =	swait.ge [sflag:s16], $0x2800  }
0x95: {  	[sflag:s16] =	ssyncset.done $0x0  }
0x96: {  	[sflag:s16] =	ssyncadd.s32 $0xFFFFD800  }
0x97: {  	_ =	sfence.sel $0x180000  }
0x98: {  	[bflag:$0x0] =	sbarrier.arrive $0xFFFF  }
0x99: {  	_ =	strace $0x90000050  }
0x9a: {  	[bflag:$0x2] =	sbarrier.arrive $0xFFFF  }
0x9b: {  	p0 =	sne.s32 s0, $0x0;
	s0 =	rddreg [dreg:$0x2]  }
0x9c: {  	s0 =	sadd.s32 @!p0 $0x100000, s0  }
0x9d: {  	[sflag:s0] =	ssyncadd.tile.s32 @!p0 $0x1;
	_ =	shalt  }
.Lfunc_end2:
_tile_overlayer_lowered:
.L_overlay_start_2:
0x9e: {  	(tag) =	ssettag $0x2  }
0x9f: {  	s0 =	rddreg [dreg:$0x0];
	s2 =	stileid.u32  }
0xa0: {  	s1 =	rddreg [dreg:$0x1];
	p0 =	sne.s32 s2, $0x0  }
0xa1: {  	s3 =	rddreg [dreg:$0x2];
	[bflag:$0x3] =	sbarrier.arrive $0xFFFF;
	s2 =	simm.s32 @!p0 $0x1C03  }
0xa2: {  	[timem:s3], [sflag:s2] =	dma.local @!p0 [hbm:s0], s1  }
0xa3: {  	s0 =	simm.s32 @!p0 $0x3  }
0xa4: {  	_ =	swait.ge @!p0 [sflag:s0], s1  }
0xa5: {  	s1 =	ssub.s32 @!p0 $0x0, s1;
	[sflag:s0] =	ssyncset.done @!p0 $0x0  }
0xa6: {  	[sflag:s0] =	ssyncadd.s32 @!p0 s1  }
0xa7: {  	[bflag:$0x3] =	sbarrier.arrive $0xFFFF  }
0xa8: {  	_ =	shalt  }

</sc_bundles>
